<compile_context>
chip_gen: v7x
topology: tpu7x:2x2x1
jax: 0.10.2.dev20260603
libtpu: 0.0.44.dev20260713+nightly
codegen_flags: <defaults>
</compile_context>

<pallas_src>
import functools

import jax
import jax.numpy as jnp
from jax import lax
from jax.experimental import pallas as pl
from jax.experimental.pallas import tpu as pltpu
from jax.experimental.pallas import tpu_sc as plsc

_VOCAB = 128
_D = 32
_ROWS = 4096
_COLS = 200
_NC = 2
_NS = 16
_NW = _NC * _NS
_IW = _ROWS // _NW
_TABW = _VOCAB * _D


def _emb_body(ids_hbm, table_hbm, out_hbm, table_v, idx_v, blk0, blk1, sem_o):
    wid = lax.axis_index("s") * _NC + lax.axis_index("c")
    i0 = wid * _IW

    pltpu.sync_copy(table_hbm, table_v)
    pltpu.sync_copy(ids_hbm.at[pl.ds(0, _COLS), pl.ds(i0, _IW)], idx_v)

    lane = lax.iota(jnp.int32, 16)

    def gather_j(j, blk):
        ids = [idx_v[j, pl.ds(g * 16, 16)] for g in range(_IW // 16)]
        src0 = [i16 * _D for i16 in ids]
        div = [lane + g * 16 for g in range(_IW // 16)]

        @plsc.parallel_loop(0, _D, 1, unroll=2)
        def t_loop(t):
            colv = (lane + t) & (_D - 1)
            for g in range(_IW // 16):
                val = plsc.load_gather(table_v, [src0[g] + colv])
                plsc.store_scatter(blk, [colv, div[g]], val)

    def fire(j, blk):
        pltpu.async_copy(
            blk, out_hbm.at[j, pl.ds(0, _D), pl.ds(i0, _IW)], sem_o
        )

    def drain():
        pltpu.make_async_copy(
            blk0, out_hbm.at[0, pl.ds(0, _D), pl.ds(i0, _IW)], sem_o
        ).wait()

    gather_j(0, blk0)
    fire(0, blk0)
    gather_j(1, blk1)
    fire(1, blk1)

    def body(it, c):
        j0 = 2 + 2 * it
        drain()
        gather_j(j0, blk0)
        fire(j0, blk0)
        drain()
        gather_j(j0 + 1, blk1)
        fire(j0 + 1, blk1)
        return c

    lax.fori_loop(0, (_COLS - 2) // 2, body, 0)
    drain()
    drain()


_emb = functools.partial(
    pl.kernel,
    mesh=plsc.VectorSubcoreMesh(core_axis_name="c", subcore_axis_name="s"),
    out_type=jax.ShapeDtypeStruct((_COLS, _D, _ROWS), jnp.float32),
    scratch_types=[
        pltpu.VMEM((_TABW,), jnp.float32),
        pltpu.VMEM((_COLS, _IW), jnp.int32),
        pltpu.VMEM((_D, _IW), jnp.float32),
        pltpu.VMEM((_D, _IW), jnp.float32),
        pltpu.SemaphoreType.DMA,
    ],
    compiler_params=pltpu.CompilerParams(
        use_tc_tiling_on_sc=True, needs_layout_passes=False
    ),
)(_emb_body)


@jax.jit
def kernel(input_ids, embed_weight):
    ids_t = input_ids.T.astype(jnp.int32)
    out_t = _emb(ids_t, embed_weight.reshape(-1))
    return out_t.transpose(2, 0, 1)

# --- scband reference (transcript-rebuilt; emitter-appended) ---
"""Pipeline reference for scband-stub-text-model-60782377173421 (READ-ONLY COPY).

The authoritative reference and input builder live on the scoring server;
editing this copy changes nothing except your own understanding.
"""

import jax, jax.numpy as jnp
import numpy as np

VOCAB = 128
EMBED_DIM = 32

def setup_inputs(seed: int = 0) -> dict:
    key = jax.random.key(seed)
    k1, k2 = jax.random.split(key)
    input_ids = jax.random.randint(k1, (4096, 200), 0, VOCAB, dtype=jnp.int64 if jax.config.jax_enable_x64 else jnp.int32)
    embed_weight = jax.random.normal(k2, (VOCAB, EMBED_DIM), dtype=jnp.float32)
    return {"input_ids": input_ids, "embed_weight": embed_weight}

def reference(input_ids, embed_weight):
    # StubTextModel.forward: last_hidden_state = self.embed(input_ids)
    # return_hidden_states=False, return_attentions=False, so only
    # last_hidden_state is computed; past_key_values is None.
    last_hidden_state = jnp.take(embed_weight, input_ids, axis=0)
    return last_hidden_state

if __name__ == "__main__":
    import jax
    _d = setup_inputs()
    print(jax.jit(kernel)(*tuple(_d.values())))

</pallas_src>

<mosaic_0001>
#map = affine_map<(d0, d1) -> (0, 0)>
#map1 = affine_map<(d0, d1) -> (0)>
#map2 = affine_map<(d0, d1) -> (0, 0, 0)>
module attributes {stable_mosaic.version = 14 : i64} {
  func.func @_emb_body(%arg0: i32, %arg1: i32, %arg2: memref<200x4096xi32, #tpu.memory_space<hbm>>, %arg3: memref<4096xf32, #tpu.memory_space<hbm>>, %arg4: memref<200x32x4096xf32, #tpu.memory_space<hbm>>, %arg5: memref<4096xf32, #tpu.memory_space<vmem>>, %arg6: memref<200x128xi32, #tpu.memory_space<vmem>>, %arg7: memref<32x128xf32, #tpu.memory_space<vmem>>, %arg8: memref<32x128xf32, #tpu.memory_space<vmem>>, %arg9: memref<!tpu.dma_semaphore, #tpu.memory_space<semaphore_mem>>) attributes {dimension_semantics = [#tpu.dimension_semantics<core_parallel>, #tpu.dimension_semantics<subcore_parallel>], iteration_bounds = array<i64: 2, 16>, scalar_prefetch = 0 : i64, scratch_operands = 5 : i64, tpu.core_type = #tpu.core_type<sc_vector_subcore>, window_params = [{transform_indices = #map}, {transform_indices = #map1}, {transform_indices = #map2}]} {
    %mul3A = arith.constant 2 : i32
    %mul3A_0 = arith.muli %arg1, %mul3A : i32
    %add3A = arith.addi %mul3A_0, %arg0 : i32
    %mul3A_1 = arith.constant 128 : i32
    %mul3A_2 = arith.muli %add3A, %mul3A_1 : i32
    "tpu.region"() ({
      %run_scoped3A = tpu.sem_alloc : memref<!tpu.dma_semaphore, #tpu.memory_space<semaphore_mem>>
      tpu.enqueue_dma source(%arg3 : memref<4096xf32, #tpu.memory_space<hbm>>) target(%arg5 : memref<4096xf32, #tpu.memory_space<vmem>>) target_semaphore(%run_scoped3A : memref<!tpu.dma_semaphore, #tpu.memory_space<semaphore_mem>>)
      tpu.wait_dma2 semaphore(%run_scoped3A : memref<!tpu.dma_semaphore, #tpu.memory_space<semaphore_mem>>) src(%arg3 : memref<4096xf32, #tpu.memory_space<hbm>>) dst(%arg5 : memref<4096xf32, #tpu.memory_space<vmem>>)
      tpu.yield
    }) : () -> ()
    "tpu.region"() ({
      %run_scoped3A = tpu.sem_alloc : memref<!tpu.dma_semaphore, #tpu.memory_space<semaphore_mem>>
      %dma_start3A_198 = arith.constant 0 : i32
      %dma_start3A_199 = tpu.memref_slice %arg2[%dma_start3A_198, %mul3A_2] : memref<200x4096xi32, #tpu.memory_space<hbm>> -> memref<200x128xi32, #tpu.memory_space<hbm>>
      %dma_start3A_200 = arith.constant 0 : i32
      %dma_start3A_201 = tpu.memref_slice %arg2[%dma_start3A_200, %mul3A_2] : memref<200x4096xi32, #tpu.memory_space<hbm>> -> memref<200x128xi32, #tpu.memory_space<hbm>>
      tpu.enqueue_dma source(%dma_start3A_201 : memref<200x128xi32, #tpu.memory_space<hbm>>) target(%arg6 : memref<200x128xi32, #tpu.memory_space<vmem>>) target_semaphore(%run_scoped3A : memref<!tpu.dma_semaphore, #tpu.memory_space<semaphore_mem>>)
      %dma_wait3A_202 = arith.constant 0 : i32
      %dma_wait3A_203 = tpu.memref_slice %arg2[%dma_wait3A_202, %mul3A_2] : memref<200x4096xi32, #tpu.memory_space<hbm>> -> memref<200x128xi32, #tpu.memory_space<hbm>>
      %dma_wait3A_204 = arith.constant 0 : i32
      %dma_wait3A_205 = tpu.memref_slice %arg2[%dma_wait3A_204, %mul3A_2] : memref<200x4096xi32, #tpu.memory_space<hbm>> -> memref<200x128xi32, #tpu.memory_space<hbm>>
      tpu.wait_dma2 semaphore(%run_scoped3A : memref<!tpu.dma_semaphore, #tpu.memory_space<semaphore_mem>>) src(%dma_wait3A_205 : memref<200x128xi32, #tpu.memory_space<hbm>>) dst(%arg6 : memref<200x128xi32, #tpu.memory_space<vmem>>)
      tpu.yield
    }) : () -> ()
    %iota3A = tpu.iota {dimensions = array<i32: 0>} : vector<16xi32>
    %get3A = arith.constant 0 : i32
    %get3A_3 = arith.index_cast %get3A : i32 to index
    %get3A_4 = arith.constant 0 : index
    %get3A_5 = tpu.vector_load %arg6[%get3A_3, %get3A_4] {strides = array<i32>} : memref<200x128xi32, #tpu.memory_space<vmem>>, vector<16xi32>,
    %get3A_6 = arith.constant 0 : i32
    %get3A_7 = arith.index_cast %get3A_6 : i32 to index
    %get3A_8 = arith.constant 16 : index
    %get3A_9 = tpu.vector_load %arg6[%get3A_7, %get3A_8] {strides = array<i32>} : memref<200x128xi32, #tpu.memory_space<vmem>>, vector<16xi32>,
    %get3A_10 = arith.constant 0 : i32
    %get3A_11 = arith.index_cast %get3A_10 : i32 to index
    %get3A_12 = arith.constant 32 : index
    %get3A_13 = tpu.vector_load %arg6[%get3A_11, %get3A_12] {strides = array<i32>} : memref<200x128xi32, #tpu.memory_space<vmem>>, vector<16xi32>,
    %get3A_14 = arith.constant 0 : i32
    %get3A_15 = arith.index_cast %get3A_14 : i32 to index
    %get3A_16 = arith.constant 48 : index
    %get3A_17 = tpu.vector_load %arg6[%get3A_15, %get3A_16] {strides = array<i32>} : memref<200x128xi32, #tpu.memory_space<vmem>>, vector<16xi32>,
    %get3A_18 = arith.constant 0 : i32
    %get3A_19 = arith.index_cast %get3A_18 : i32 to index
    %get3A_20 = arith.constant 64 : index
    %get3A_21 = tpu.vector_load %arg6[%get3A_19, %get3A_20] {strides = array<i32>} : memref<200x128xi32, #tpu.memory_space<vmem>>, vector<16xi32>,
    %get3A_22 = arith.constant 0 : i32
    %get3A_23 = arith.index_cast %get3A_22 : i32 to index
    %get3A_24 = arith.constant 80 : index
    %get3A_25 = tpu.vector_load %arg6[%get3A_23, %get3A_24] {strides = array<i32>} : memref<200x128xi32, #tpu.memory_space<vmem>>, vector<16xi32>,
    %get3A_26 = arith.constant 0 : i32
    %get3A_27 = arith.index_cast %get3A_26 : i32 to index
    %get3A_28 = arith.constant 96 : index
    %get3A_29 = tpu.vector_load %arg6[%get3A_27, %get3A_28] {strides = array<i32>} : memref<200x128xi32, #tpu.memory_space<vmem>>, vector<16xi32>,
    %get3A_30 = arith.constant 0 : i32
    %get3A_31 = arith.index_cast %get3A_30 : i32 to index
    %get3A_32 = arith.constant 112 : index
    %get3A_33 = tpu.vector_load %arg6[%get3A_31, %get3A_32] {strides = array<i32>} : memref<200x128xi32, #tpu.memory_space<vmem>>, vector<16xi32>,
    %mul3A_34 = arith.constant 32 : i32
    %mul3A_35 = vector.broadcast %mul3A_34 : i32 to vector<16xi32>
    %mul3A_36 = arith.muli %get3A_5, %mul3A_35 : vector<16xi32>
    %mul3A_37 = arith.constant 32 : i32
    %mul3A_38 = vector.broadcast %mul3A_37 : i32 to vector<16xi32>
    %mul3A_39 = arith.muli %get3A_9, %mul3A_38 : vector<16xi32>
    %mul3A_40 = arith.constant 32 : i32
    %mul3A_41 = vector.broadcast %mul3A_40 : i32 to vector<16xi32>
    %mul3A_42 = arith.muli %get3A_13, %mul3A_41 : vector<16xi32>
    %mul3A_43 = arith.constant 32 : i32
    %mul3A_44 = vector.broadcast %mul3A_43 : i32 to vector<16xi32>
    %mul3A_45 = arith.muli %get3A_17, %mul3A_44 : vector<16xi32>
    %mul3A_46 = arith.constant 32 : i32
    %mul3A_47 = vector.broadcast %mul3A_46 : i32 to vector<16xi32>
    %mul3A_48 = arith.muli %get3A_21, %mul3A_47 : vector<16xi32>
    %mul3A_49 = arith.constant 32 : i32
    %mul3A_50 = vector.broadcast %mul3A_49 : i32 to vector<16xi32>
    %mul3A_51 = arith.muli %get3A_25, %mul3A_50 : vector<16xi32>
    %mul3A_52 = arith.constant 32 : i32
    %mul3A_53 = vector.broadcast %mul3A_52 : i32 to vector<16xi32>
    %mul3A_54 = arith.muli %get3A_29, %mul3A_53 : vector<16xi32>
    %mul3A_55 = arith.constant 32 : i32
    %mul3A_56 = vector.broadcast %mul3A_55 : i32 to vector<16xi32>
    %mul3A_57 = arith.muli %get3A_33, %mul3A_56 : vector<16xi32>
    %add3A_58 = arith.constant 0 : i32
    %add3A_59 = vector.broadcast %add3A_58 : i32 to vector<16xi32>
    %add3A_60 = arith.addi %iota3A, %add3A_59 : vector<16xi32>
    %add3A_61 = arith.constant 16 : i32
    %add3A_62 = vector.broadcast %add3A_61 : i32 to vector<16xi32>
    %add3A_63 = arith.addi %iota3A, %add3A_62 : vector<16xi32>
    %add3A_64 = arith.constant 32 : i32
    %add3A_65 = vector.broadcast %add3A_64 : i32 to vector<16xi32>
    %add3A_66 = arith.addi %iota3A, %add3A_65 : vector<16xi32>
    %add3A_67 = arith.constant 48 : i32
    %add3A_68 = vector.broadcast %add3A_67 : i32 to vector<16xi32>
    %add3A_69 = arith.addi %iota3A, %add3A_68 : vector<16xi32>
    %add3A_70 = arith.constant 64 : i32
    %add3A_71 = vector.broadcast %add3A_70 : i32 to vector<16xi32>
    %add3A_72 = arith.addi %iota3A, %add3A_71 : vector<16xi32>
    %add3A_73 = arith.constant 80 : i32
    %add3A_74 = vector.broadcast %add3A_73 : i32 to vector<16xi32>
    %add3A_75 = arith.addi %iota3A, %add3A_74 : vector<16xi32>
    %add3A_76 = arith.constant 96 : i32
    %add3A_77 = vector.broadcast %add3A_76 : i32 to vector<16xi32>
    %add3A_78 = arith.addi %iota3A, %add3A_77 : vector<16xi32>
    %add3A_79 = arith.constant 112 : i32
    %add3A_80 = vector.broadcast %add3A_79 : i32 to vector<16xi32>
    %add3A_81 = arith.addi %iota3A, %add3A_80 : vector<16xi32>
    %parallel_loop3A = arith.constant 0 : i32
    %parallel_loop3A_82 = arith.constant 32 : i32
    %parallel_loop3A_83 = arith.constant 1 : i32
    scf.for %parallel_loop3A_198 = %parallel_loop3A to %parallel_loop3A_82 step %parallel_loop3A_83  : i32 {
      %parallel_loop3A_199 = vector.broadcast %parallel_loop3A_198 : i32 to vector<16xi32>
      %parallel_loop3A_200 = arith.addi %iota3A, %parallel_loop3A_199 : vector<16xi32>
      %parallel_loop3A_201 = arith.constant 31 : i32
      %parallel_loop3A_202 = vector.broadcast %parallel_loop3A_201 : i32 to vector<16xi32>
      %parallel_loop3A_203 = arith.andi %parallel_loop3A_200, %parallel_loop3A_202 : vector<16xi32>
      %parallel_loop3A_204 = arith.addi %mul3A_36, %parallel_loop3A_203 : vector<16xi32>
      %parallel_loop3A_205 = tpu.vector_load_idx %arg5[%parallel_loop3A_204] : memref<4096xf32, #tpu.memory_space<vmem>>[vector<16xi32>], vector<16xf32>,
      tpu.vector_store_idx %arg7[%parallel_loop3A_203, %add3A_60], %parallel_loop3A_205 : memref<32x128xf32, #tpu.memory_space<vmem>>[vector<16xi32>, vector<16xi32>], vector<16xf32>,
      %parallel_loop3A_206 = arith.addi %mul3A_39, %parallel_loop3A_203 : vector<16xi32>
      %parallel_loop3A_207 = tpu.vector_load_idx %arg5[%parallel_loop3A_206] : memref<4096xf32, #tpu.memory_space<vmem>>[vector<16xi32>], vector<16xf32>,
      tpu.vector_store_idx %arg7[%parallel_loop3A_203, %add3A_63], %parallel_loop3A_207 : memref<32x128xf32, #tpu.memory_space<vmem>>[vector<16xi32>, vector<16xi32>], vector<16xf32>,
      %parallel_loop3A_208 = arith.addi %mul3A_42, %parallel_loop3A_203 : vector<16xi32>
      %parallel_loop3A_209 = tpu.vector_load_idx %arg5[%parallel_loop3A_208] : memref<4096xf32, #tpu.memory_space<vmem>>[vector<16xi32>], vector<16xf32>,
      tpu.vector_store_idx %arg7[%parallel_loop3A_203, %add3A_66], %parallel_loop3A_209 : memref<32x128xf32, #tpu.memory_space<vmem>>[vector<16xi32>, vector<16xi32>], vector<16xf32>,
      %parallel_loop3A_210 = arith.addi %mul3A_45, %parallel_loop3A_203 : vector<16xi32>
      %parallel_loop3A_211 = tpu.vector_load_idx %arg5[%parallel_loop3A_210] : memref<4096xf32, #tpu.memory_space<vmem>>[vector<16xi32>], vector<16xf32>,
      tpu.vector_store_idx %arg7[%parallel_loop3A_203, %add3A_69], %parallel_loop3A_211 : memref<32x128xf32, #tpu.memory_space<vmem>>[vector<16xi32>, vector<16xi32>], vector<16xf32>,
      %parallel_loop3A_212 = arith.addi %mul3A_48, %parallel_loop3A_203 : vector<16xi32>
      %parallel_loop3A_213 = tpu.vector_load_idx %arg5[%parallel_loop3A_212] : memref<4096xf32, #tpu.memory_space<vmem>>[vector<16xi32>], vector<16xf32>,
      tpu.vector_store_idx %arg7[%parallel_loop3A_203, %add3A_72], %parallel_loop3A_213 : memref<32x128xf32, #tpu.memory_space<vmem>>[vector<16xi32>, vector<16xi32>], vector<16xf32>,
      %parallel_loop3A_214 = arith.addi %mul3A_51, %parallel_loop3A_203 : vector<16xi32>
      %parallel_loop3A_215 = tpu.vector_load_idx %arg5[%parallel_loop3A_214] : memref<4096xf32, #tpu.memory_space<vmem>>[vector<16xi32>], vector<16xf32>,
      tpu.vector_store_idx %arg7[%parallel_loop3A_203, %add3A_75], %parallel_loop3A_215 : memref<32x128xf32, #tpu.memory_space<vmem>>[vector<16xi32>, vector<16xi32>], vector<16xf32>,
      %parallel_loop3A_216 = arith.addi %mul3A_54, %parallel_loop3A_203 : vector<16xi32>
      %parallel_loop3A_217 = tpu.vector_load_idx %arg5[%parallel_loop3A_216] : memref<4096xf32, #tpu.memory_space<vmem>>[vector<16xi32>], vector<16xf32>,
      tpu.vector_store_idx %arg7[%parallel_loop3A_203, %add3A_78], %parallel_loop3A_217 : memref<32x128xf32, #tpu.memory_space<vmem>>[vector<16xi32>, vector<16xi32>], vector<16xf32>,
      %parallel_loop3A_218 = arith.addi %mul3A_57, %parallel_loop3A_203 : vector<16xi32>
      %parallel_loop3A_219 = tpu.vector_load_idx %arg5[%parallel_loop3A_218] : memref<4096xf32, #tpu.memory_space<vmem>>[vector<16xi32>], vector<16xf32>,
      tpu.vector_store_idx %arg7[%parallel_loop3A_203, %add3A_81], %parallel_loop3A_219 : memref<32x128xf32, #tpu.memory_space<vmem>>[vector<16xi32>, vector<16xi32>], vector<16xf32>,
    } {sc.loop_unroll_factor = 2 : i64, sc.parallel_access}
    %dma_start3A = arith.constant 0 : i32
    %dma_start3A_84 = arith.constant 0 : i32
    %dma_start3A_85 = tpu.memref_slice %arg4[%dma_start3A, %dma_start3A_84, %mul3A_2] : memref<200x32x4096xf32, #tpu.memory_space<hbm>> -> memref<1x32x128xf32, #tpu.memory_space<hbm>>
    %dma_start3A_86 = tpu.memref_squeeze %dma_start3A_85 : memref<1x32x128xf32, #tpu.memory_space<hbm>> -> memref<32x128xf32, #tpu.memory_space<hbm>>
    %dma_start3A_87 = arith.constant 0 : i32
    %dma_start3A_88 = tpu.memref_slice %arg4[%dma_start3A, %dma_start3A_87, %mul3A_2] : memref<200x32x4096xf32, #tpu.memory_space<hbm>> -> memref<1x32x128xf32, #tpu.memory_space<hbm>>
    %dma_start3A_89 = tpu.memref_squeeze %dma_start3A_88 : memref<1x32x128xf32, #tpu.memory_space<hbm>> -> memref<32x128xf32, #tpu.memory_space<hbm>>
    tpu.enqueue_dma source(%arg7 : memref<32x128xf32, #tpu.memory_space<vmem>>) target(%dma_start3A_89 : memref<32x128xf32, #tpu.memory_space<hbm>>) target_semaphore(%arg9 : memref<!tpu.dma_semaphore, #tpu.memory_space<semaphore_mem>>)
    %get3A_90 = arith.constant 1 : i32
    %get3A_91 = arith.index_cast %get3A_90 : i32 to index
    %get3A_92 = arith.constant 0 : index
    %get3A_93 = tpu.vector_load %arg6[%get3A_91, %get3A_92] {strides = array<i32>} : memref<200x128xi32, #tpu.memory_space<vmem>>, vector<16xi32>,
    %get3A_94 = arith.constant 1 : i32
    %get3A_95 = arith.index_cast %get3A_94 : i32 to index
    %get3A_96 = arith.constant 16 : index
    %get3A_97 = tpu.vector_load %arg6[%get3A_95, %get3A_96] {strides = array<i32>} : memref<200x128xi32, #tpu.memory_space<vmem>>, vector<16xi32>,
    %get3A_98 = arith.constant 1 : i32
    %get3A_99 = arith.index_cast %get3A_98 : i32 to index
    %get3A_100 = arith.constant 32 : index
    %get3A_101 = tpu.vector_load %arg6[%get3A_99, %get3A_100] {strides = array<i32>} : memref<200x128xi32, #tpu.memory_space<vmem>>, vector<16xi32>,
    %get3A_102 = arith.constant 1 : i32
    %get3A_103 = arith.index_cast %get3A_102 : i32 to index
    %get3A_104 = arith.constant 48 : index
    %get3A_105 = tpu.vector_load %arg6[%get3A_103, %get3A_104] {strides = array<i32>} : memref<200x128xi32, #tpu.memory_space<vmem>>, vector<16xi32>,
    %get3A_106 = arith.constant 1 : i32
    %get3A_107 = arith.index_cast %get3A_106 : i32 to index
    %get3A_108 = arith.constant 64 : index
    %get3A_109 = tpu.vector_load %arg6[%get3A_107, %get3A_108] {strides = array<i32>} : memref<200x128xi32, #tpu.memory_space<vmem>>, vector<16xi32>,
    %get3A_110 = arith.constant 1 : i32
    %get3A_111 = arith.index_cast %get3A_110 : i32 to index
    %get3A_112 = arith.constant 80 : index
    %get3A_113 = tpu.vector_load %arg6[%get3A_111, %get3A_112] {strides = array<i32>} : memref<200x128xi32, #tpu.memory_space<vmem>>, vector<16xi32>,
    %get3A_114 = arith.constant 1 : i32
    %get3A_115 = arith.index_cast %get3A_114 : i32 to index
    %get3A_116 = arith.constant 96 : index
    %get3A_117 = tpu.vector_load %arg6[%get3A_115, %get3A_116] {strides = array<i32>} : memref<200x128xi32, #tpu.memory_space<vmem>>, vector<16xi32>,
    %get3A_118 = arith.constant 1 : i32
    %get3A_119 = arith.index_cast %get3A_118 : i32 to index
    %get3A_120 = arith.constant 112 : index
    %get3A_121 = tpu.vector_load %arg6[%get3A_119, %get3A_120] {strides = array<i32>} : memref<200x128xi32, #tpu.memory_space<vmem>>, vector<16xi32>,
    %mul3A_122 = arith.constant 32 : i32
    %mul3A_123 = vector.broadcast %mul3A_122 : i32 to vector<16xi32>
    %mul3A_124 = arith.muli %get3A_93, %mul3A_123 : vector<16xi32>
    %mul3A_125 = arith.constant 32 : i32
    %mul3A_126 = vector.broadcast %mul3A_125 : i32 to vector<16xi32>
    %mul3A_127 = arith.muli %get3A_97, %mul3A_126 : vector<16xi32>
    %mul3A_128 = arith.constant 32 : i32
    %mul3A_129 = vector.broadcast %mul3A_128 : i32 to vector<16xi32>
    %mul3A_130 = arith.muli %get3A_101, %mul3A_129 : vector<16xi32>
    %mul3A_131 = arith.constant 32 : i32
    %mul3A_132 = vector.broadcast %mul3A_131 : i32 to vector<16xi32>
    %mul3A_133 = arith.muli %get3A_105, %mul3A_132 : vector<16xi32>
    %mul3A_134 = arith.constant 32 : i32
    %mul3A_135 = vector.broadcast %mul3A_134 : i32 to vector<16xi32>
    %mul3A_136 = arith.muli %get3A_109, %mul3A_135 : vector<16xi32>
    %mul3A_137 = arith.constant 32 : i32
    %mul3A_138 = vector.broadcast %mul3A_137 : i32 to vector<16xi32>
    %mul3A_139 = arith.muli %get3A_113, %mul3A_138 : vector<16xi32>
    %mul3A_140 = arith.constant 32 : i32
    %mul3A_141 = vector.broadcast %mul3A_140 : i32 to vector<16xi32>
    %mul3A_142 = arith.muli %get3A_117, %mul3A_141 : vector<16xi32>
    %mul3A_143 = arith.constant 32 : i32
    %mul3A_144 = vector.broadcast %mul3A_143 : i32 to vector<16xi32>
    %mul3A_145 = arith.muli %get3A_121, %mul3A_144 : vector<16xi32>
    %add3A_146 = arith.constant 0 : i32
    %add3A_147 = vector.broadcast %add3A_146 : i32 to vector<16xi32>
    %add3A_148 = arith.addi %iota3A, %add3A_147 : vector<16xi32>
    %add3A_149 = arith.constant 16 : i32
    %add3A_150 = vector.broadcast %add3A_149 : i32 to vector<16xi32>
    %add3A_151 = arith.addi %iota3A, %add3A_150 : vector<16xi32>
    %add3A_152 = arith.constant 32 : i32
    %add3A_153 = vector.broadcast %add3A_152 : i32 to vector<16xi32>
    %add3A_154 = arith.addi %iota3A, %add3A_153 : vector<16xi32>
    %add3A_155 = arith.constant 48 : i32
    %add3A_156 = vector.broadcast %add3A_155 : i32 to vector<16xi32>
    %add3A_157 = arith.addi %iota3A, %add3A_156 : vector<16xi32>
    %add3A_158 = arith.constant 64 : i32
    %add3A_159 = vector.broadcast %add3A_158 : i32 to vector<16xi32>
    %add3A_160 = arith.addi %iota3A, %add3A_159 : vector<16xi32>
    %add3A_161 = arith.constant 80 : i32
    %add3A_162 = vector.broadcast %add3A_161 : i32 to vector<16xi32>
    %add3A_163 = arith.addi %iota3A, %add3A_162 : vector<16xi32>
    %add3A_164 = arith.constant 96 : i32
    %add3A_165 = vector.broadcast %add3A_164 : i32 to vector<16xi32>
    %add3A_166 = arith.addi %iota3A, %add3A_165 : vector<16xi32>
    %add3A_167 = arith.constant 112 : i32
    %add3A_168 = vector.broadcast %add3A_167 : i32 to vector<16xi32>
    %add3A_169 = arith.addi %iota3A, %add3A_168 : vector<16xi32>
    %parallel_loop3A_170 = arith.constant 0 : i32
    %parallel_loop3A_171 = arith.constant 32 : i32
    %parallel_loop3A_172 = arith.constant 1 : i32
    scf.for %parallel_loop3A_198 = %parallel_loop3A_170 to %parallel_loop3A_171 step %parallel_loop3A_172  : i32 {
      %parallel_loop3A_199 = vector.broadcast %parallel_loop3A_198 : i32 to vector<16xi32>
      %parallel_loop3A_200 = arith.addi %iota3A, %parallel_loop3A_199 : vector<16xi32>
      %parallel_loop3A_201 = arith.constant 31 : i32
      %parallel_loop3A_202 = vector.broadcast %parallel_loop3A_201 : i32 to vector<16xi32>
      %parallel_loop3A_203 = arith.andi %parallel_loop3A_200, %parallel_loop3A_202 : vector<16xi32>
      %parallel_loop3A_204 = arith.addi %mul3A_124, %parallel_loop3A_203 : vector<16xi32>
      %parallel_loop3A_205 = tpu.vector_load_idx %arg5[%parallel_loop3A_204] : memref<4096xf32, #tpu.memory_space<vmem>>[vector<16xi32>], vector<16xf32>,
      tpu.vector_store_idx %arg8[%parallel_loop3A_203, %add3A_148], %parallel_loop3A_205 : memref<32x128xf32, #tpu.memory_space<vmem>>[vector<16xi32>, vector<16xi32>], vector<16xf32>,
      %parallel_loop3A_206 = arith.addi %mul3A_127, %parallel_loop3A_203 : vector<16xi32>
      %parallel_loop3A_207 = tpu.vector_load_idx %arg5[%parallel_loop3A_206] : memref<4096xf32, #tpu.memory_space<vmem>>[vector<16xi32>], vector<16xf32>,
      tpu.vector_store_idx %arg8[%parallel_loop3A_203, %add3A_151], %parallel_loop3A_207 : memref<32x128xf32, #tpu.memory_space<vmem>>[vector<16xi32>, vector<16xi32>], vector<16xf32>,
      %parallel_loop3A_208 = arith.addi %mul3A_130, %parallel_loop3A_203 : vector<16xi32>
      %parallel_loop3A_209 = tpu.vector_load_idx %arg5[%parallel_loop3A_208] : memref<4096xf32, #tpu.memory_space<vmem>>[vector<16xi32>], vector<16xf32>,
      tpu.vector_store_idx %arg8[%parallel_loop3A_203, %add3A_154], %parallel_loop3A_209 : memref<32x128xf32, #tpu.memory_space<vmem>>[vector<16xi32>, vector<16xi32>], vector<16xf32>,
      %parallel_loop3A_210 = arith.addi %mul3A_133, %parallel_loop3A_203 : vector<16xi32>
      %parallel_loop3A_211 = tpu.vector_load_idx %arg5[%parallel_loop3A_210] : memref<4096xf32, #tpu.memory_space<vmem>>[vector<16xi32>], vector<16xf32>,
      tpu.vector_store_idx %arg8[%parallel_loop3A_203, %add3A_157], %parallel_loop3A_211 : memref<32x128xf32, #tpu.memory_space<vmem>>[vector<16xi32>, vector<16xi32>], vector<16xf32>,
      %parallel_loop3A_212 = arith.addi %mul3A_136, %parallel_loop3A_203 : vector<16xi32>
      %parallel_loop3A_213 = tpu.vector_load_idx %arg5[%parallel_loop3A_212] : memref<4096xf32, #tpu.memory_space<vmem>>[vector<16xi32>], vector<16xf32>,
      tpu.vector_store_idx %arg8[%parallel_loop3A_203, %add3A_160], %parallel_loop3A_213 : memref<32x128xf32, #tpu.memory_space<vmem>>[vector<16xi32>, vector<16xi32>], vector<16xf32>,
      %parallel_loop3A_214 = arith.addi %mul3A_139, %parallel_loop3A_203 : vector<16xi32>
      %parallel_loop3A_215 = tpu.vector_load_idx %arg5[%parallel_loop3A_214] : memref<4096xf32, #tpu.memory_space<vmem>>[vector<16xi32>], vector<16xf32>,
      tpu.vector_store_idx %arg8[%parallel_loop3A_203, %add3A_163], %parallel_loop3A_215 : memref<32x128xf32, #tpu.memory_space<vmem>>[vector<16xi32>, vector<16xi32>], vector<16xf32>,
      %parallel_loop3A_216 = arith.addi %mul3A_142, %parallel_loop3A_203 : vector<16xi32>
      %parallel_loop3A_217 = tpu.vector_load_idx %arg5[%parallel_loop3A_216] : memref<4096xf32, #tpu.memory_space<vmem>>[vector<16xi32>], vector<16xf32>,
      tpu.vector_store_idx %arg8[%parallel_loop3A_203, %add3A_166], %parallel_loop3A_217 : memref<32x128xf32, #tpu.memory_space<vmem>>[vector<16xi32>, vector<16xi32>], vector<16xf32>,
      %parallel_loop3A_218 = arith.addi %mul3A_145, %parallel_loop3A_203 : vector<16xi32>
      %parallel_loop3A_219 = tpu.vector_load_idx %arg5[%parallel_loop3A_218] : memref<4096xf32, #tpu.memory_space<vmem>>[vector<16xi32>], vector<16xf32>,
      tpu.vector_store_idx %arg8[%parallel_loop3A_203, %add3A_169], %parallel_loop3A_219 : memref<32x128xf32, #tpu.memory_space<vmem>>[vector<16xi32>, vector<16xi32>], vector<16xf32>,
    } {sc.loop_unroll_factor = 2 : i64, sc.parallel_access}
    %dma_start3A_173 = arith.constant 1 : i32
    %dma_start3A_174 = arith.constant 0 : i32
    %dma_start3A_175 = tpu.memref_slice %arg4[%dma_start3A_173, %dma_start3A_174, %mul3A_2] : memref<200x32x4096xf32, #tpu.memory_space<hbm>> -> memref<1x32x128xf32, #tpu.memory_space<hbm>>
    %dma_start3A_176 = tpu.memref_squeeze %dma_start3A_175 : memref<1x32x128xf32, #tpu.memory_space<hbm>> -> memref<32x128xf32, #tpu.memory_space<hbm>>
    %dma_start3A_177 = arith.constant 0 : i32
    %dma_start3A_178 = tpu.memref_slice %arg4[%dma_start3A_173, %dma_start3A_177, %mul3A_2] : memref<200x32x4096xf32, #tpu.memory_space<hbm>> -> memref<1x32x128xf32, #tpu.memory_space<hbm>>
    %dma_start3A_179 = tpu.memref_squeeze %dma_start3A_178 : memref<1x32x128xf32, #tpu.memory_space<hbm>> -> memref<32x128xf32, #tpu.memory_space<hbm>>
    tpu.enqueue_dma source(%arg8 : memref<32x128xf32, #tpu.memory_space<vmem>>) target(%dma_start3A_179 : memref<32x128xf32, #tpu.memory_space<hbm>>) target_semaphore(%arg9 : memref<!tpu.dma_semaphore, #tpu.memory_space<semaphore_mem>>)
    %scan3A = arith.constant 0 : i32
    %scan3A_180 = arith.constant 0 : i32
    %scan3A_181 = arith.constant 99 : i32
    %scan3A_182 = arith.addi %scan3A_180, %scan3A_181 : i32
    %scan3A_183 = arith.constant 1 : i32
    scf.for %scan3A_198 = %scan3A_180 to %scan3A_182 step %scan3A_183  : i32 {
      %mul3A_199 = arith.constant 2 : i32
      %mul3A_200 = arith.muli %mul3A_199, %scan3A_198 : i32
      %add3A_201 = arith.constant 2 : i32
      %add3A_202 = arith.addi %add3A_201, %mul3A_200 : i32
      %dma_wait3A_203 = arith.constant 0 : i32
      %dma_wait3A_204 = arith.constant 0 : i32
      %dma_wait3A_205 = tpu.memref_slice %arg4[%dma_wait3A_203, %dma_wait3A_204, %mul3A_2] : memref<200x32x4096xf32, #tpu.memory_space<hbm>> -> memref<1x32x128xf32, #tpu.memory_space<hbm>>
      %dma_wait3A_206 = tpu.memref_squeeze %dma_wait3A_205 : memref<1x32x128xf32, #tpu.memory_space<hbm>> -> memref<32x128xf32, #tpu.memory_space<hbm>>
      %dma_wait3A_207 = arith.constant 0 : i32
      %dma_wait3A_208 = tpu.memref_slice %arg4[%dma_wait3A_203, %dma_wait3A_207, %mul3A_2] : memref<200x32x4096xf32, #tpu.memory_space<hbm>> -> memref<1x32x128xf32, #tpu.memory_space<hbm>>
      %dma_wait3A_209 = tpu.memref_squeeze %dma_wait3A_208 : memref<1x32x128xf32, #tpu.memory_space<hbm>> -> memref<32x128xf32, #tpu.memory_space<hbm>>
      tpu.wait_dma2 semaphore(%arg9 : memref<!tpu.dma_semaphore, #tpu.memory_space<semaphore_mem>>) src(%arg7 : memref<32x128xf32, #tpu.memory_space<vmem>>) dst(%dma_wait3A_209 : memref<32x128xf32, #tpu.memory_space<hbm>>)
      %get3A_210 = arith.index_cast %add3A_202 : i32 to index
      %get3A_211 = arith.constant 0 : index
      %get3A_212 = tpu.vector_load %arg6[%get3A_210, %get3A_211] {strides = array<i32>} : memref<200x128xi32, #tpu.memory_space<vmem>>, vector<16xi32>,
      %get3A_213 = arith.index_cast %add3A_202 : i32 to index
      %get3A_214 = arith.constant 16 : index
      %get3A_215 = tpu.vector_load %arg6[%get3A_213, %get3A_214] {strides = array<i32>} : memref<200x128xi32, #tpu.memory_space<vmem>>, vector<16xi32>,
      %get3A_216 = arith.index_cast %add3A_202 : i32 to index
      %get3A_217 = arith.constant 32 : index
      %get3A_218 = tpu.vector_load %arg6[%get3A_216, %get3A_217] {strides = array<i32>} : memref<200x128xi32, #tpu.memory_space<vmem>>, vector<16xi32>,
      %get3A_219 = arith.index_cast %add3A_202 : i32 to index
      %get3A_220 = arith.constant 48 : index
      %get3A_221 = tpu.vector_load %arg6[%get3A_219, %get3A_220] {strides = array<i32>} : memref<200x128xi32, #tpu.memory_space<vmem>>, vector<16xi32>,
      %get3A_222 = arith.index_cast %add3A_202 : i32 to index
      %get3A_223 = arith.constant 64 : index
      %get3A_224 = tpu.vector_load %arg6[%get3A_222, %get3A_223] {strides = array<i32>} : memref<200x128xi32, #tpu.memory_space<vmem>>, vector<16xi32>,
      %get3A_225 = arith.index_cast %add3A_202 : i32 to index
      %get3A_226 = arith.constant 80 : index
      %get3A_227 = tpu.vector_load %arg6[%get3A_225, %get3A_226] {strides = array<i32>} : memref<200x128xi32, #tpu.memory_space<vmem>>, vector<16xi32>,
      %get3A_228 = arith.index_cast %add3A_202 : i32 to index
      %get3A_229 = arith.constant 96 : index
      %get3A_230 = tpu.vector_load %arg6[%get3A_228, %get3A_229] {strides = array<i32>} : memref<200x128xi32, #tpu.memory_space<vmem>>, vector<16xi32>,
      %get3A_231 = arith.index_cast %add3A_202 : i32 to index
      %get3A_232 = arith.constant 112 : index
      %get3A_233 = tpu.vector_load %arg6[%get3A_231, %get3A_232] {strides = array<i32>} : memref<200x128xi32, #tpu.memory_space<vmem>>, vector<16xi32>,
      %mul3A_234 = arith.constant 32 : i32
      %mul3A_235 = vector.broadcast %mul3A_234 : i32 to vector<16xi32>
      %mul3A_236 = arith.muli %get3A_212, %mul3A_235 : vector<16xi32>
      %mul3A_237 = arith.constant 32 : i32
      %mul3A_238 = vector.broadcast %mul3A_237 : i32 to vector<16xi32>
      %mul3A_239 = arith.muli %get3A_215, %mul3A_238 : vector<16xi32>
      %mul3A_240 = arith.constant 32 : i32
      %mul3A_241 = vector.broadcast %mul3A_240 : i32 to vector<16xi32>
      %mul3A_242 = arith.muli %get3A_218, %mul3A_241 : vector<16xi32>
      %mul3A_243 = arith.constant 32 : i32
      %mul3A_244 = vector.broadcast %mul3A_243 : i32 to vector<16xi32>
      %mul3A_245 = arith.muli %get3A_221, %mul3A_244 : vector<16xi32>
      %mul3A_246 = arith.constant 32 : i32
      %mul3A_247 = vector.broadcast %mul3A_246 : i32 to vector<16xi32>
      %mul3A_248 = arith.muli %get3A_224, %mul3A_247 : vector<16xi32>
      %mul3A_249 = arith.constant 32 : i32
      %mul3A_250 = vector.broadcast %mul3A_249 : i32 to vector<16xi32>
      %mul3A_251 = arith.muli %get3A_227, %mul3A_250 : vector<16xi32>
      %mul3A_252 = arith.constant 32 : i32
      %mul3A_253 = vector.broadcast %mul3A_252 : i32 to vector<16xi32>
      %mul3A_254 = arith.muli %get3A_230, %mul3A_253 : vector<16xi32>
      %mul3A_255 = arith.constant 32 : i32
      %mul3A_256 = vector.broadcast %mul3A_255 : i32 to vector<16xi32>
      %mul3A_257 = arith.muli %get3A_233, %mul3A_256 : vector<16xi32>
      %add3A_258 = arith.constant 0 : i32
      %add3A_259 = vector.broadcast %add3A_258 : i32 to vector<16xi32>
      %add3A_260 = arith.addi %iota3A, %add3A_259 : vector<16xi32>
      %add3A_261 = arith.constant 16 : i32
      %add3A_262 = vector.broadcast %add3A_261 : i32 to vector<16xi32>
      %add3A_263 = arith.addi %iota3A, %add3A_262 : vector<16xi32>
      %add3A_264 = arith.constant 32 : i32
      %add3A_265 = vector.broadcast %add3A_264 : i32 to vector<16xi32>
      %add3A_266 = arith.addi %iota3A, %add3A_265 : vector<16xi32>
      %add3A_267 = arith.constant 48 : i32
      %add3A_268 = vector.broadcast %add3A_267 : i32 to vector<16xi32>
      %add3A_269 = arith.addi %iota3A, %add3A_268 : vector<16xi32>
      %add3A_270 = arith.constant 64 : i32
      %add3A_271 = vector.broadcast %add3A_270 : i32 to vector<16xi32>
      %add3A_272 = arith.addi %iota3A, %add3A_271 : vector<16xi32>
      %add3A_273 = arith.constant 80 : i32
      %add3A_274 = vector.broadcast %add3A_273 : i32 to vector<16xi32>
      %add3A_275 = arith.addi %iota3A, %add3A_274 : vector<16xi32>
      %add3A_276 = arith.constant 96 : i32
      %add3A_277 = vector.broadcast %add3A_276 : i32 to vector<16xi32>
      %add3A_278 = arith.addi %iota3A, %add3A_277 : vector<16xi32>
      %add3A_279 = arith.constant 112 : i32
      %add3A_280 = vector.broadcast %add3A_279 : i32 to vector<16xi32>
      %add3A_281 = arith.addi %iota3A, %add3A_280 : vector<16xi32>
      %parallel_loop3A_282 = arith.constant 0 : i32
      %parallel_loop3A_283 = arith.constant 32 : i32
      %parallel_loop3A_284 = arith.constant 1 : i32
      scf.for %parallel_loop3A_383 = %parallel_loop3A_282 to %parallel_loop3A_283 step %parallel_loop3A_284  : i32 {
        %parallel_loop3A_384 = vector.broadcast %parallel_loop3A_383 : i32 to vector<16xi32>
        %parallel_loop3A_385 = arith.addi %iota3A, %parallel_loop3A_384 : vector<16xi32>
        %parallel_loop3A_386 = arith.constant 31 : i32
        %parallel_loop3A_387 = vector.broadcast %parallel_loop3A_386 : i32 to vector<16xi32>
        %parallel_loop3A_388 = arith.andi %parallel_loop3A_385, %parallel_loop3A_387 : vector<16xi32>
        %parallel_loop3A_389 = arith.addi %mul3A_236, %parallel_loop3A_388 : vector<16xi32>
        %parallel_loop3A_390 = tpu.vector_load_idx %arg5[%parallel_loop3A_389] : memref<4096xf32, #tpu.memory_space<vmem>>[vector<16xi32>], vector<16xf32>,
        tpu.vector_store_idx %arg7[%parallel_loop3A_388, %add3A_260], %parallel_loop3A_390 : memref<32x128xf32, #tpu.memory_space<vmem>>[vector<16xi32>, vector<16xi32>], vector<16xf32>,
        %parallel_loop3A_391 = arith.addi %mul3A_239, %parallel_loop3A_388 : vector<16xi32>
        %parallel_loop3A_392 = tpu.vector_load_idx %arg5[%parallel_loop3A_391] : memref<4096xf32, #tpu.memory_space<vmem>>[vector<16xi32>], vector<16xf32>,
        tpu.vector_store_idx %arg7[%parallel_loop3A_388, %add3A_263], %parallel_loop3A_392 : memref<32x128xf32, #tpu.memory_space<vmem>>[vector<16xi32>, vector<16xi32>], vector<16xf32>,
        %parallel_loop3A_393 = arith.addi %mul3A_242, %parallel_loop3A_388 : vector<16xi32>
        %parallel_loop3A_394 = tpu.vector_load_idx %arg5[%parallel_loop3A_393] : memref<4096xf32, #tpu.memory_space<vmem>>[vector<16xi32>], vector<16xf32>,
        tpu.vector_store_idx %arg7[%parallel_loop3A_388, %add3A_266], %parallel_loop3A_394 : memref<32x128xf32, #tpu.memory_space<vmem>>[vector<16xi32>, vector<16xi32>], vector<16xf32>,
        %parallel_loop3A_395 = arith.addi %mul3A_245, %parallel_loop3A_388 : vector<16xi32>
        %parallel_loop3A_396 = tpu.vector_load_idx %arg5[%parallel_loop3A_395] : memref<4096xf32, #tpu.memory_space<vmem>>[vector<16xi32>], vector<16xf32>,
        tpu.vector_store_idx %arg7[%parallel_loop3A_388, %add3A_269], %parallel_loop3A_396 : memref<32x128xf32, #tpu.memory_space<vmem>>[vector<16xi32>, vector<16xi32>], vector<16xf32>,
        %parallel_loop3A_397 = arith.addi %mul3A_248, %parallel_loop3A_388 : vector<16xi32>
        %parallel_loop3A_398 = tpu.vector_load_idx %arg5[%parallel_loop3A_397] : memref<4096xf32, #tpu.memory_space<vmem>>[vector<16xi32>], vector<16xf32>,
        tpu.vector_store_idx %arg7[%parallel_loop3A_388, %add3A_272], %parallel_loop3A_398 : memref<32x128xf32, #tpu.memory_space<vmem>>[vector<16xi32>, vector<16xi32>], vector<16xf32>,
        %parallel_loop3A_399 = arith.addi %mul3A_251, %parallel_loop3A_388 : vector<16xi32>
        %parallel_loop3A_400 = tpu.vector_load_idx %arg5[%parallel_loop3A_399] : memref<4096xf32, #tpu.memory_space<vmem>>[vector<16xi32>], vector<16xf32>,
        tpu.vector_store_idx %arg7[%parallel_loop3A_388, %add3A_275], %parallel_loop3A_400 : memref<32x128xf32, #tpu.memory_space<vmem>>[vector<16xi32>, vector<16xi32>], vector<16xf32>,
        %parallel_loop3A_401 = arith.addi %mul3A_254, %parallel_loop3A_388 : vector<16xi32>
        %parallel_loop3A_402 = tpu.vector_load_idx %arg5[%parallel_loop3A_401] : memref<4096xf32, #tpu.memory_space<vmem>>[vector<16xi32>], vector<16xf32>,
        tpu.vector_store_idx %arg7[%parallel_loop3A_388, %add3A_278], %parallel_loop3A_402 : memref<32x128xf32, #tpu.memory_space<vmem>>[vector<16xi32>, vector<16xi32>], vector<16xf32>,
        %parallel_loop3A_403 = arith.addi %mul3A_257, %parallel_loop3A_388 : vector<16xi32>
        %parallel_loop3A_404 = tpu.vector_load_idx %arg5[%parallel_loop3A_403] : memref<4096xf32, #tpu.memory_space<vmem>>[vector<16xi32>], vector<16xf32>,
        tpu.vector_store_idx %arg7[%parallel_loop3A_388, %add3A_281], %parallel_loop3A_404 : memref<32x128xf32, #tpu.memory_space<vmem>>[vector<16xi32>, vector<16xi32>], vector<16xf32>,
      } {sc.loop_unroll_factor = 2 : i64, sc.parallel_access}
      %dma_start3A_285 = arith.constant 0 : i32
      %dma_start3A_286 = tpu.memref_slice %arg4[%add3A_202, %dma_start3A_285, %mul3A_2] : memref<200x32x4096xf32, #tpu.memory_space<hbm>> -> memref<1x32x128xf32, #tpu.memory_space<hbm>>
      %dma_start3A_287 = tpu.memref_squeeze %dma_start3A_286 : memref<1x32x128xf32, #tpu.memory_space<hbm>> -> memref<32x128xf32, #tpu.memory_space<hbm>>
      %dma_start3A_288 = arith.constant 0 : i32
      %dma_start3A_289 = tpu.memref_slice %arg4[%add3A_202, %dma_start3A_288, %mul3A_2] : memref<200x32x4096xf32, #tpu.memory_space<hbm>> -> memref<1x32x128xf32, #tpu.memory_space<hbm>>
      %dma_start3A_290 = tpu.memref_squeeze %dma_start3A_289 : memref<1x32x128xf32, #tpu.memory_space<hbm>> -> memref<32x128xf32, #tpu.memory_space<hbm>>
      tpu.enqueue_dma source(%arg7 : memref<32x128xf32, #tpu.memory_space<vmem>>) target(%dma_start3A_290 : memref<32x128xf32, #tpu.memory_space<hbm>>) target_semaphore(%arg9 : memref<!tpu.dma_semaphore, #tpu.memory_space<semaphore_mem>>)
      %dma_wait3A_291 = arith.constant 0 : i32
      %dma_wait3A_292 = arith.constant 0 : i32
      %dma_wait3A_293 = tpu.memref_slice %arg4[%dma_wait3A_291, %dma_wait3A_292, %mul3A_2] : memref<200x32x4096xf32, #tpu.memory_space<hbm>> -> memref<1x32x128xf32, #tpu.memory_space<hbm>>
      %dma_wait3A_294 = tpu.memref_squeeze %dma_wait3A_293 : memref<1x32x128xf32, #tpu.memory_space<hbm>> -> memref<32x128xf32, #tpu.memory_space<hbm>>
      %dma_wait3A_295 = arith.constant 0 : i32
      %dma_wait3A_296 = tpu.memref_slice %arg4[%dma_wait3A_291, %dma_wait3A_295, %mul3A_2] : memref<200x32x4096xf32, #tpu.memory_space<hbm>> -> memref<1x32x128xf32, #tpu.memory_space<hbm>>
      %dma_wait3A_297 = tpu.memref_squeeze %dma_wait3A_296 : memref<1x32x128xf32, #tpu.memory_space<hbm>> -> memref<32x128xf32, #tpu.memory_space<hbm>>
      tpu.wait_dma2 semaphore(%arg9 : memref<!tpu.dma_semaphore, #tpu.memory_space<semaphore_mem>>) src(%arg7 : memref<32x128xf32, #tpu.memory_space<vmem>>) dst(%dma_wait3A_297 : memref<32x128xf32, #tpu.memory_space<hbm>>)
      %add3A_298 = arith.constant 1 : i32
      %add3A_299 = arith.addi %add3A_202, %add3A_298 : i32
      %get3A_300 = arith.index_cast %add3A_299 : i32 to index
      %get3A_301 = arith.constant 0 : index
      %get3A_302 = tpu.vector_load %arg6[%get3A_300, %get3A_301] {strides = array<i32>} : memref<200x128xi32, #tpu.memory_space<vmem>>, vector<16xi32>,
      %get3A_303 = arith.index_cast %add3A_299 : i32 to index
      %get3A_304 = arith.constant 16 : index
      %get3A_305 = tpu.vector_load %arg6[%get3A_303, %get3A_304] {strides = array<i32>} : memref<200x128xi32, #tpu.memory_space<vmem>>, vector<16xi32>,
      %get3A_306 = arith.index_cast %add3A_299 : i32 to index
      %get3A_307 = arith.constant 32 : index
      %get3A_308 = tpu.vector_load %arg6[%get3A_306, %get3A_307] {strides = array<i32>} : memref<200x128xi32, #tpu.memory_space<vmem>>, vector<16xi32>,
      %get3A_309 = arith.index_cast %add3A_299 : i32 to index
      %get3A_310 = arith.constant 48 : index
      %get3A_311 = tpu.vector_load %arg6[%get3A_309, %get3A_310] {strides = array<i32>} : memref<200x128xi32, #tpu.memory_space<vmem>>, vector<16xi32>,
      %get3A_312 = arith.index_cast %add3A_299 : i32 to index
      %get3A_313 = arith.constant 64 : index
      %get3A_314 = tpu.vector_load %arg6[%get3A_312, %get3A_313] {strides = array<i32>} : memref<200x128xi32, #tpu.memory_space<vmem>>, vector<16xi32>,
      %get3A_315 = arith.index_cast %add3A_299 : i32 to index
      %get3A_316 = arith.constant 80 : index
      %get3A_317 = tpu.vector_load %arg6[%get3A_315, %get3A_316] {strides = array<i32>} : memref<200x128xi32, #tpu.memory_space<vmem>>, vector<16xi32>,
      %get3A_318 = arith.index_cast %add3A_299 : i32 to index
      %get3A_319 = arith.constant 96 : index
      %get3A_320 = tpu.vector_load %arg6[%get3A_318, %get3A_319] {strides = array<i32>} : memref<200x128xi32, #tpu.memory_space<vmem>>, vector<16xi32>,
      %get3A_321 = arith.index_cast %add3A_299 : i32 to index
      %get3A_322 = arith.constant 112 : index
      %get3A_323 = tpu.vector_load %arg6[%get3A_321, %get3A_322] {strides = array<i32>} : memref<200x128xi32, #tpu.memory_space<vmem>>, vector<16xi32>,
      %mul3A_324 = arith.constant 32 : i32
      %mul3A_325 = vector.broadcast %mul3A_324 : i32 to vector<16xi32>
      %mul3A_326 = arith.muli %get3A_302, %mul3A_325 : vector<16xi32>
      %mul3A_327 = arith.constant 32 : i32
      %mul3A_328 = vector.broadcast %mul3A_327 : i32 to vector<16xi32>
      %mul3A_329 = arith.muli %get3A_305, %mul3A_328 : vector<16xi32>
      %mul3A_330 = arith.constant 32 : i32
      %mul3A_331 = vector.broadcast %mul3A_330 : i32 to vector<16xi32>
      %mul3A_332 = arith.muli %get3A_308, %mul3A_331 : vector<16xi32>
      %mul3A_333 = arith.constant 32 : i32
      %mul3A_334 = vector.broadcast %mul3A_333 : i32 to vector<16xi32>
      %mul3A_335 = arith.muli %get3A_311, %mul3A_334 : vector<16xi32>
      %mul3A_336 = arith.constant 32 : i32
      %mul3A_337 = vector.broadcast %mul3A_336 : i32 to vector<16xi32>
      %mul3A_338 = arith.muli %get3A_314, %mul3A_337 : vector<16xi32>
      %mul3A_339 = arith.constant 32 : i32
      %mul3A_340 = vector.broadcast %mul3A_339 : i32 to vector<16xi32>
      %mul3A_341 = arith.muli %get3A_317, %mul3A_340 : vector<16xi32>
      %mul3A_342 = arith.constant 32 : i32
      %mul3A_343 = vector.broadcast %mul3A_342 : i32 to vector<16xi32>
      %mul3A_344 = arith.muli %get3A_320, %mul3A_343 : vector<16xi32>
      %mul3A_345 = arith.constant 32 : i32
      %mul3A_346 = vector.broadcast %mul3A_345 : i32 to vector<16xi32>
      %mul3A_347 = arith.muli %get3A_323, %mul3A_346 : vector<16xi32>
      %add3A_348 = arith.constant 0 : i32
      %add3A_349 = vector.broadcast %add3A_348 : i32 to vector<16xi32>
      %add3A_350 = arith.addi %iota3A, %add3A_349 : vector<16xi32>
      %add3A_351 = arith.constant 16 : i32
      %add3A_352 = vector.broadcast %add3A_351 : i32 to vector<16xi32>
      %add3A_353 = arith.addi %iota3A, %add3A_352 : vector<16xi32>
      %add3A_354 = arith.constant 32 : i32
      %add3A_355 = vector.broadcast %add3A_354 : i32 to vector<16xi32>
      %add3A_356 = arith.addi %iota3A, %add3A_355 : vector<16xi32>
      %add3A_357 = arith.constant 48 : i32
      %add3A_358 = vector.broadcast %add3A_357 : i32 to vector<16xi32>
      %add3A_359 = arith.addi %iota3A, %add3A_358 : vector<16xi32>
      %add3A_360 = arith.constant 64 : i32
      %add3A_361 = vector.broadcast %add3A_360 : i32 to vector<16xi32>
      %add3A_362 = arith.addi %iota3A, %add3A_361 : vector<16xi32>
      %add3A_363 = arith.constant 80 : i32
      %add3A_364 = vector.broadcast %add3A_363 : i32 to vector<16xi32>
      %add3A_365 = arith.addi %iota3A, %add3A_364 : vector<16xi32>
      %add3A_366 = arith.constant 96 : i32
      %add3A_367 = vector.broadcast %add3A_366 : i32 to vector<16xi32>
      %add3A_368 = arith.addi %iota3A, %add3A_367 : vector<16xi32>
      %add3A_369 = arith.constant 112 : i32
      %add3A_370 = vector.broadcast %add3A_369 : i32 to vector<16xi32>
      %add3A_371 = arith.addi %iota3A, %add3A_370 : vector<16xi32>
      %parallel_loop3A_372 = arith.constant 0 : i32
      %parallel_loop3A_373 = arith.constant 32 : i32
      %parallel_loop3A_374 = arith.constant 1 : i32
      scf.for %parallel_loop3A_383 = %parallel_loop3A_372 to %parallel_loop3A_373 step %parallel_loop3A_374  : i32 {
        %parallel_loop3A_384 = vector.broadcast %parallel_loop3A_383 : i32 to vector<16xi32>
        %parallel_loop3A_385 = arith.addi %iota3A, %parallel_loop3A_384 : vector<16xi32>
        %parallel_loop3A_386 = arith.constant 31 : i32
        %parallel_loop3A_387 = vector.broadcast %parallel_loop3A_386 : i32 to vector<16xi32>
        %parallel_loop3A_388 = arith.andi %parallel_loop3A_385, %parallel_loop3A_387 : vector<16xi32>
        %parallel_loop3A_389 = arith.addi %mul3A_326, %parallel_loop3A_388 : vector<16xi32>
        %parallel_loop3A_390 = tpu.vector_load_idx %arg5[%parallel_loop3A_389] : memref<4096xf32, #tpu.memory_space<vmem>>[vector<16xi32>], vector<16xf32>,
        tpu.vector_store_idx %arg8[%parallel_loop3A_388, %add3A_350], %parallel_loop3A_390 : memref<32x128xf32, #tpu.memory_space<vmem>>[vector<16xi32>, vector<16xi32>], vector<16xf32>,
        %parallel_loop3A_391 = arith.addi %mul3A_329, %parallel_loop3A_388 : vector<16xi32>
        %parallel_loop3A_392 = tpu.vector_load_idx %arg5[%parallel_loop3A_391] : memref<4096xf32, #tpu.memory_space<vmem>>[vector<16xi32>], vector<16xf32>,
        tpu.vector_store_idx %arg8[%parallel_loop3A_388, %add3A_353], %parallel_loop3A_392 : memref<32x128xf32, #tpu.memory_space<vmem>>[vector<16xi32>, vector<16xi32>], vector<16xf32>,
        %parallel_loop3A_393 = arith.addi %mul3A_332, %parallel_loop3A_388 : vector<16xi32>
        %parallel_loop3A_394 = tpu.vector_load_idx %arg5[%parallel_loop3A_393] : memref<4096xf32, #tpu.memory_space<vmem>>[vector<16xi32>], vector<16xf32>,
        tpu.vector_store_idx %arg8[%parallel_loop3A_388, %add3A_356], %parallel_loop3A_394 : memref<32x128xf32, #tpu.memory_space<vmem>>[vector<16xi32>, vector<16xi32>], vector<16xf32>,
        %parallel_loop3A_395 = arith.addi %mul3A_335, %parallel_loop3A_388 : vector<16xi32>
        %parallel_loop3A_396 = tpu.vector_load_idx %arg5[%parallel_loop3A_395] : memref<4096xf32, #tpu.memory_space<vmem>>[vector<16xi32>], vector<16xf32>,
        tpu.vector_store_idx %arg8[%parallel_loop3A_388, %add3A_359], %parallel_loop3A_396 : memref<32x128xf32, #tpu.memory_space<vmem>>[vector<16xi32>, vector<16xi32>], vector<16xf32>,
        %parallel_loop3A_397 = arith.addi %mul3A_338, %parallel_loop3A_388 : vector<16xi32>
        %parallel_loop3A_398 = tpu.vector_load_idx %arg5[%parallel_loop3A_397] : memref<4096xf32, #tpu.memory_space<vmem>>[vector<16xi32>], vector<16xf32>,
        tpu.vector_store_idx %arg8[%parallel_loop3A_388, %add3A_362], %parallel_loop3A_398 : memref<32x128xf32, #tpu.memory_space<vmem>>[vector<16xi32>, vector<16xi32>], vector<16xf32>,
        %parallel_loop3A_399 = arith.addi %mul3A_341, %parallel_loop3A_388 : vector<16xi32>
        %parallel_loop3A_400 = tpu.vector_load_idx %arg5[%parallel_loop3A_399] : memref<4096xf32, #tpu.memory_space<vmem>>[vector<16xi32>], vector<16xf32>,
        tpu.vector_store_idx %arg8[%parallel_loop3A_388, %add3A_365], %parallel_loop3A_400 : memref<32x128xf32, #tpu.memory_space<vmem>>[vector<16xi32>, vector<16xi32>], vector<16xf32>,
        %parallel_loop3A_401 = arith.addi %mul3A_344, %parallel_loop3A_388 : vector<16xi32>
        %parallel_loop3A_402 = tpu.vector_load_idx %arg5[%parallel_loop3A_401] : memref<4096xf32, #tpu.memory_space<vmem>>[vector<16xi32>], vector<16xf32>,
        tpu.vector_store_idx %arg8[%parallel_loop3A_388, %add3A_368], %parallel_loop3A_402 : memref<32x128xf32, #tpu.memory_space<vmem>>[vector<16xi32>, vector<16xi32>], vector<16xf32>,
        %parallel_loop3A_403 = arith.addi %mul3A_347, %parallel_loop3A_388 : vector<16xi32>
        %parallel_loop3A_404 = tpu.vector_load_idx %arg5[%parallel_loop3A_403] : memref<4096xf32, #tpu.memory_space<vmem>>[vector<16xi32>], vector<16xf32>,
        tpu.vector_store_idx %arg8[%parallel_loop3A_388, %add3A_371], %parallel_loop3A_404 : memref<32x128xf32, #tpu.memory_space<vmem>>[vector<16xi32>, vector<16xi32>], vector<16xf32>,
      } {sc.loop_unroll_factor = 2 : i64, sc.parallel_access}
      %add3A_375 = arith.constant 1 : i32
      %add3A_376 = arith.addi %add3A_202, %add3A_375 : i32
      %dma_start3A_377 = arith.constant 0 : i32
      %dma_start3A_378 = tpu.memref_slice %arg4[%add3A_376, %dma_start3A_377, %mul3A_2] : memref<200x32x4096xf32, #tpu.memory_space<hbm>> -> memref<1x32x128xf32, #tpu.memory_space<hbm>>
      %dma_start3A_379 = tpu.memref_squeeze %dma_start3A_378 : memref<1x32x128xf32, #tpu.memory_space<hbm>> -> memref<32x128xf32, #tpu.memory_space<hbm>>
      %dma_start3A_380 = arith.constant 0 : i32
      %dma_start3A_381 = tpu.memref_slice %arg4[%add3A_376, %dma_start3A_380, %mul3A_2] : memref<200x32x4096xf32, #tpu.memory_space<hbm>> -> memref<1x32x128xf32, #tpu.memory_space<hbm>>
      %dma_start3A_382 = tpu.memref_squeeze %dma_start3A_381 : memref<1x32x128xf32, #tpu.memory_space<hbm>> -> memref<32x128xf32, #tpu.memory_space<hbm>>
      tpu.enqueue_dma source(%arg8 : memref<32x128xf32, #tpu.memory_space<vmem>>) target(%dma_start3A_382 : memref<32x128xf32, #tpu.memory_space<hbm>>) target_semaphore(%arg9 : memref<!tpu.dma_semaphore, #tpu.memory_space<semaphore_mem>>)
    }
    %scan3A_184 = arith.constant 99 : i32
    %dma_wait3A = arith.constant 0 : i32
    %dma_wait3A_185 = arith.constant 0 : i32
    %dma_wait3A_186 = tpu.memref_slice %arg4[%dma_wait3A, %dma_wait3A_185, %mul3A_2] : memref<200x32x4096xf32, #tpu.memory_space<hbm>> -> memref<1x32x128xf32, #tpu.memory_space<hbm>>
    %dma_wait3A_187 = tpu.memref_squeeze %dma_wait3A_186 : memref<1x32x128xf32, #tpu.memory_space<hbm>> -> memref<32x128xf32, #tpu.memory_space<hbm>>
    %dma_wait3A_188 = arith.constant 0 : i32
    %dma_wait3A_189 = tpu.memref_slice %arg4[%dma_wait3A, %dma_wait3A_188, %mul3A_2] : memref<200x32x4096xf32, #tpu.memory_space<hbm>> -> memref<1x32x128xf32, #tpu.memory_space<hbm>>
    %dma_wait3A_190 = tpu.memref_squeeze %dma_wait3A_189 : memref<1x32x128xf32, #tpu.memory_space<hbm>> -> memref<32x128xf32, #tpu.memory_space<hbm>>
    tpu.wait_dma2 semaphore(%arg9 : memref<!tpu.dma_semaphore, #tpu.memory_space<semaphore_mem>>) src(%arg7 : memref<32x128xf32, #tpu.memory_space<vmem>>) dst(%dma_wait3A_190 : memref<32x128xf32, #tpu.memory_space<hbm>>)
    %dma_wait3A_191 = arith.constant 0 : i32
    %dma_wait3A_192 = arith.constant 0 : i32
    %dma_wait3A_193 = tpu.memref_slice %arg4[%dma_wait3A_191, %dma_wait3A_192, %mul3A_2] : memref<200x32x4096xf32, #tpu.memory_space<hbm>> -> memref<1x32x128xf32, #tpu.memory_space<hbm>>
    %dma_wait3A_194 = tpu.memref_squeeze %dma_wait3A_193 : memref<1x32x128xf32, #tpu.memory_space<hbm>> -> memref<32x128xf32, #tpu.memory_space<hbm>>
    %dma_wait3A_195 = arith.constant 0 : i32
    %dma_wait3A_196 = tpu.memref_slice %arg4[%dma_wait3A_191, %dma_wait3A_195, %mul3A_2] : memref<200x32x4096xf32, #tpu.memory_space<hbm>> -> memref<1x32x128xf32, #tpu.memory_space<hbm>>
    %dma_wait3A_197 = tpu.memref_squeeze %dma_wait3A_196 : memref<1x32x128xf32, #tpu.memory_space<hbm>> -> memref<32x128xf32, #tpu.memory_space<hbm>>
    tpu.wait_dma2 semaphore(%arg9 : memref<!tpu.dma_semaphore, #tpu.memory_space<semaphore_mem>>) src(%arg7 : memref<32x128xf32, #tpu.memory_space<vmem>>) dst(%dma_wait3A_197 : memref<32x128xf32, #tpu.memory_space<hbm>>)
    return
  }
}

</mosaic_0001>

<sc_bundles>
// kernel: kernel.3.cloned.1.call-start
scs
__scs_entry_jumppad:
0x0: {  	(pc) =	sbr.rel $0x88, $3  }
0x1: {  	(tag) =	ssettag $0x0;
	lr =	simm.s32 $0x1  }
0x2: {  	[smem:$0x3F9F] =	sst lr;
	_ =	strace $0xD0000000  }
0x3: {  	_ = 	snop  }
0x4: {  	_ = 	snop  }
0x5: {  	_ = 	snop  }
0x6: {  	_ = 	snop  }
0x7: {  	_ = 	snop  }
__scs_overlays_trampoline_lowered:
0x8: {  	[smem:$0x3FAE] =	sst s0  }
0x9: {  	[smem:$0x3FAF] =	sst s1  }
0xa: {  	[smem:$0x3FB0] =	sst s2  }
0xb: {  	[smem:$0x3FB1] =	sst s3  }
0xc: {  	[smem:$0x3FB2] =	sst s4  }
0xd: {  	[smem:$0x3FB3] =	sst s5  }
0xe: {  	[smem:$0x3FB4] =	sst s6  }
0xf: {  	[smem:$0x3FB5] =	sst s7  }
0x10: {  	[smem:$0x3FB6] =	sst s8  }
0x11: {  	[smem:$0x3FB7] =	sst s9;
	s0 =	simm.s32 @!p0 $0x0  }
0x12: {  	s1 =	sld [smem:$0x3F9D];
	s0 =	simm.s32 @p0 $0x1  }
0x13: {  	[smem:$0x3FB8] =	sst s0;
	s0 =	simm.s32 @!p1 $0x0  }
0x14: {  	s2 =	sld [smem:$0x3F9C];
	s0 =	simm.s32 @p1 $0x1  }
0x15: {  	[smem:$0x3FB9] =	sst s0;
	s0 =	simm.s32 @!p2 $0x0  }
0x16: {  	s3 =	sld [smem:$0x3FDB];
	s0 =	simm.s32 @p2 $0x1  }
0x17: {  	s4 =	simm.s32 $0x1BF5;
	[smem:$0x3FBB] =	sst s0  }
0x18: {  	s0 =	sld [smem:$0x3F9E];
	_ =	swait.ge [sflag:s4], $0x0  }
0x19: {  	s7 =	sld [smem:$0x3F9F]  }
0x1a: {  	s8 =	sadd.s32 $0xFFFFE003, lr  }
0x1b: {  	s9 =	sadd.s32 $0xFFFFFEF7, lr;
	s5 =	simm.s32 $0xFFFFFFFF;
	p2 =	slt.u32 s8, $0xFFFFF086  }
0x1c: {  	p1 =	slt.u32 s9, $0xF7A;
	s5 =	simm.s32 @!p2 $0x0  }
0x1d: {  	s5 =	simm.s32 @p1 $0x1;
	p0 =	seq.s32 s7, s2  }
0x1e: {  	s7 =	smul.u32 @!p0 $0xF7A, s2;
	p2 =	seq.s32 @!p0 s5, $0x0  }
0x1f: {  	s9 =	smul.u32 $0xF7A, s1;
	s8 =	simm.s32 @!p0 $0x1BF5;
	p2 =	por !p2, p0  }
0x20: {  	[sflag:s8] =	ssyncset.s32 @!p0 $0xFFFFF086;
	s6 =	sadd.s32 @!p0 s3, s7;
	s7 =	simm.s32 @!p0 $0x108  }
0x21: {  	s3 =	sadd.s32 s3, s9;
	s6 =	sadd.s32 @!p0 $0x88, s6;
	s7 =	simm.s32 @p2 $0x1082  }
0x22: {  	[simem:s7], [sflag:s8] =	dma.local @!p0 [hbm:s6], $0xF7A  }
0x23: {  	s9 =	sor.u32 $0xD0000000, s2;
	s6 =	simm.s32 $0x108;
	_ =	swait.ge @!p0 [sflag:s8], $0x0  }
0x24: {  	s3 =	sadd.s32 $0x88, s3;
	s6 =	simm.s32 @!p1 $0x1082;
	[sflag:s4] =	ssyncset.s32 $0xFFFFF086  }
0x25: {  	[simem:s6], [sflag:s4] =	dma.local [hbm:s3], $0xF7A  }
0x26: {  	[smem:$0x3F9F] =	sst s1;
	(tag) =	ssettag s2;
	_ =	strace s9  }
0x27: {  	s1 =	sld [smem:$0x3FAF]  }
0x28: {  	s2 =	sld [smem:$0x3FB0]  }
0x29: {  	s4 =	sld [smem:$0x3FB2]  }
0x2a: {  	p0 =	seq.s32 s5, $0x0;
	s5 =	sld [smem:$0x3FB3]  }
0x2b: {  	s6 =	sld [smem:$0x3FB4]  }
0x2c: {  	s7 =	sld [smem:$0x3FB5]  }
0x2d: {  	s3 =	simm.s32 $0x108;
	s8 =	sld [smem:$0x3FB6]  }
0x2e: {  	s3 =	simm.s32 @!p0 $0x1082;
	s9 =	sld [smem:$0x3FB7]  }
0x2f: {  	lr =	sadd.s32 s0, s3;
	s0 =	sld [smem:$0x3FAE]  }
0x30: {  	s3 =	sld [smem:$0x3FB1]  }
0x31: {  	[smem:$0x3FBA] =	sst s10  }
0x32: {  	s10 =	sld [smem:$0x3FB8];
	_ =	sdelay $0x3  }
0x33: {  	p0 =	seq.s32 s10, $0x1;
	s10 =	sld [smem:$0x3FBA];
	_ =	sdelay $0x3  }
0x34: {  	[smem:$0x3FBA] =	sst s10  }
0x35: {  	s10 =	sld [smem:$0x3FB9];
	_ =	sdelay $0x3  }
0x36: {  	p1 =	seq.s32 s10, $0x1;
	s10 =	sld [smem:$0x3FBA];
	_ =	sdelay $0x3  }
0x37: {  	[smem:$0x3FBA] =	sst s10  }
0x38: {  	s10 =	sld [smem:$0x3FBB]  }
0x39: {  	_ = 	snop;
	(pc) =	sbr.ind lr, $3  }
0x3a: {  	_ = 	snop  }
0x3b: {  	_ = 	snop  }
0x3c: {  	p2 =	seq.s32 s10, $0x1;
	s10 =	sld [smem:$0x3FBA]  }
0x3d: {  	_ =	shalt  }
0x3e: {  	_ =	shalt  }
0x3f: {  	_ =	shalt  }
0x40: {  	_ =	shalt  }
0x41: {  	_ =	shalt  }
0x42: {  	_ =	shalt  }
0x43: {  	_ =	shalt  }
0x44: {  	_ =	shalt  }
0x45: {  	_ =	shalt  }
0x46: {  	_ =	shalt  }
0x47: {  	_ =	shalt  }
0x48: {  	_ =	shalt  }
0x49: {  	_ =	shalt  }
0x4a: {  	_ =	shalt  }
0x4b: {  	_ =	shalt  }
0x4c: {  	_ =	shalt  }
0x4d: {  	_ =	shalt  }
0x4e: {  	_ =	shalt  }
0x4f: {  	_ =	shalt  }
0x50: {  	_ =	shalt  }
0x51: {  	_ =	shalt  }
0x52: {  	_ =	shalt  }
0x53: {  	_ =	shalt  }
0x54: {  	_ =	shalt  }
0x55: {  	_ =	shalt  }
0x56: {  	_ =	shalt  }
0x57: {  	_ =	shalt  }
0x58: {  	_ =	shalt  }
0x59: {  	_ =	shalt  }
0x5a: {  	_ =	shalt  }
0x5b: {  	_ =	shalt  }
0x5c: {  	_ =	shalt  }
0x5d: {  	_ =	shalt  }
0x5e: {  	_ =	shalt  }
0x5f: {  	_ =	shalt  }
0x60: {  	_ =	shalt  }
0x61: {  	_ =	shalt  }
0x62: {  	_ =	shalt  }
0x63: {  	_ =	shalt  }
0x64: {  	_ =	shalt  }
0x65: {  	_ =	shalt  }
0x66: {  	_ =	shalt  }
0x67: {  	_ =	shalt  }
0x68: {  	_ =	shalt  }
0x69: {  	_ =	shalt  }
0x6a: {  	_ =	shalt  }
0x6b: {  	_ =	shalt  }
0x6c: {  	_ =	shalt  }
0x6d: {  	_ =	shalt  }
0x6e: {  	_ =	shalt  }
0x6f: {  	_ =	shalt  }
0x70: {  	_ =	shalt  }
0x71: {  	_ =	shalt  }
0x72: {  	_ =	shalt  }
0x73: {  	_ =	shalt  }
0x74: {  	_ =	shalt  }
0x75: {  	_ =	shalt  }
0x76: {  	_ =	shalt  }
0x77: {  	_ =	shalt  }
0x78: {  	_ =	shalt  }
0x79: {  	_ =	shalt  }
0x7a: {  	_ =	shalt  }
0x7b: {  	_ =	shalt  }
0x7c: {  	_ =	shalt  }
0x7d: {  	_ =	shalt  }
0x7e: {  	_ =	shalt  }
0x7f: {  	_ =	shalt  }
0x80: {  	_ =	shalt  }
0x81: {  	_ =	shalt  }
0x82: {  	_ =	shalt  }
0x83: {  	_ =	shalt  }
0x84: {  	_ =	shalt  }
0x85: {  	_ =	shalt  }
0x86: {  	_ =	shalt  }
0x87: {  	_ =	shalt  }
.Lfunc_end0:
.L_simem_size_0:
called_computation_lowered:
.L_overlay_start_0:
0x88: {  	s2 =	sld [smem:$0x3FD9]  }
0x89: {  	s3 =	sld [smem:$0x3FFE];
	_ =	sdelay $0x1  }
0x8a: {  	s1 =	srdreg.scid  }
0x8b: {  	s0 =	sand.u32 $0x1, s1  }
0x8c: {  	s17 =	sshll.u32 s0, $0xA;
	s2 =	sadd.s32 s3, s2  }
0x8d: {  	s2 =	sadd.s32 s2, s17  }
0x8e: {  	[smem:$0x3FC6] =	sst s2  }
0x8f: {  	_ = 	snop  }
0x90: {  	s2 =	sld [smem:$0x3FC9]  }
0x91: {  	s18 =	sld [smem:$0x3FD0];
	(tm) =	ssettm $0x1  }
0x92: {  	s4 =	sld [smem:$0x3FFB];
	_ =	sdelay $0x3  }
0x93: {  	_ =	strace s4  }
0x94: {  	s4 =	sld [smem:$0x3FFC];
	_ =	sdelay $0x3  }
0x95: {  	_ =	strace s4  }
0x96: {  	s4 =	sld [smem:$0x3FFD];
	_ =	sdelay $0x3  }
0x97: {  	_ =	strace s4  }
0x98: {  	_ =	strace $0x8FFFFFFF  }
0x99: {  	s19 =	sld [smem:$0x3FDB];
	_ =	sdelay $0x1  }
0x9a: {  	s5 =	simm.s32 $_scs_section_size  }
0x9b: {  	s6 =	simm.s32 $_size__tile_overlayer_lowered;
	s7 =	simm.s32 $_tile_overlayer_lowered  }
0x9c: {  	s22 =	simm.s32 $0x1BFF;
	s21 =	sshll.u32 s7, $0x1;
	s4 =	sadd.s32 s5, s19  }
0x9d: {  	s8 =	simm.s32 $0x0;
	s20 =	sshll.u32 s6, $0x1;
	s6 =	sadd.s32 s21, s4  }
0x9e: {  	[timem:s8], [sflag:s22] =	dma.local [hbm:s6], s20  }
0x9f: {  	_ =	swait.ge [sflag:s22], s20  }
0xa0: {  	s5 =	ssub.s32 $0x0, s20;
	[sflag:s22] =	ssyncset.done $0x0  }
0xa1: {  	[sflag:s22] =	ssyncadd.s32 s5;
	_ =	sdelay $0x1  }
0xa2: {  	s23 =	simm.s32 $0x1B8B  }
0xa3: {  	_ =	swait.ge [sflag:s23], $0x1  }
0xa4: {  	[sflag:s23] =	ssyncset.done $0x0  }
0xa5: {  	s25 =	simm.s32 $0x1B8E;
	s24 =	sld [smem:$0x3FFE];
	[sflag:s23] =	ssyncadd.s32 $0xFFFFFFFF  }
0xa6: {  	s26 =	simm.s32 $execute0_lowered;
	[smem:$0x3FD2] =	sst s25  }
0xa7: {  	s6 =	sshll.u32 s26, $0x1;
	_ =	strace $0x80000046;
	[dreg:$0x1] =	wrdreg $0xFFFFFFFF  }
0xa8: {  	s28 =	simm.s32 $_size_execute0_lowered;
	s4 =	sadd.s32 s4, s6;
	[dreg:$0x0] =	wrdreg $0x0  }
0xa9: {  	s6 =	sshll.u32 s28, $0x1;
	[dreg:$0x2] =	wrdreg s4  }
0xaa: {  	[dreg:$0x3] =	wrdreg s6  }
0xab: {  	[dreg:$0x4] =	wrdreg $0xC0  }
0xac: {  	_ =	task [dreg:s8], $0x5FFFF  }
0xad: {  	[dreg:$0x1] =	wrdreg $0xFFFFFFFF  }
0xae: {  	[dreg:$0x0] =	wrdreg $0x60  }
0xaf: {  	[dreg:$0x2] =	wrdreg s2  }
0xb0: {  	[dreg:$0x3] =	wrdreg s24  }
0xb1: {  	[dreg:$0x4] =	wrdreg s18  }
0xb2: {  	[dreg:$0x5] =	wrdreg $0x9  }
0xb3: {  	_ =	task.clear_ibuf [dreg:s8], $0x6FFFF;
	_ =	strace $0x90000046  }
0xb4: {  	s29 =	simm.s32 $0x9;
	_ =	strace $0x80000048  }
0xb5: {  	_ =	swait.ge [sflag:s29], $0x1  }
0xb6: {  	[sflag:s29] =	ssyncadd.s32 $0xFFFFFFFF  }
0xb7: {  	_ =	strace $0x90000048  }
0xb8: {  	_ =	sfence  }
0xb9: {  	s30 =	sld [smem:$0x0];
	_ =	sdelay $0x2  }
0xba: {  	s31 =	sshll.u32 s1, $0xD;
	s1 =	sshrl.u32 s1, $0x2  }
0xbb: {  	s3 =	sand.u32 $0x4000, s31;
	s1 =	sadd.s32 s1, s30  }
0xbc: {  	s0 =	sor.u32 s3, s0;
	s1 =	sshll.u32 s1, $0x11  }
0xbd: {  	s0 =	sor.u32 s1, s0  }
0xbe: {  	s0 =	sadd.s32 $0x8F2B, s0  }
0xbf: {  	[sflag:s0] =	ssyncadd.remote.s32 $0x1  }
0xc0: {  	_ =	sfence.sel $0xFFFF  }
0xc1: {  	[dreg:$0x0] =	wrdreg $0xFFFFFFFF;
	(pc) =	sbr.abs _section_cstart, $3  }
0xc2: {  	[dreg:$0x1] =	wrdreg $0xFFFFFFFF  }
0xc3: {  	_ =	task.clear_ibuf [dreg:s8], $0x2FFFF;
	_ =	strace $0x9FFFFFFF  }
0xc4: {  	(tm) =	ssettm $0x7FFFFFFF  }
0xc5: {  	_ =	shalt  }
tec
execute0_lowered:
.L_overlay_start_1:
0x0: {  	(tag) =	ssettag $0x1  }
0x1: {  	s7 =	rddreg [dreg:$0x0]  }
0x2: {  	s5 =	rddreg [dreg:$0x1]  }
0x3: {  	s2 =	rddreg [dreg:$0x2];
	s3 =	srdreg.scid  }
0x4: {  	s0 =	rddreg [dreg:$0x3];
	s1 =	stileid.u32  }
0x5: {  	s11 =	simm.s32 $0x400;
	s12 =	simm.s32 $0x8000;
	s13 =	simm.s32 $0x1000  }
0x6: {  	s14 =	simm.s32 $0x7400;
	s15 =	simm.s32 $0x8400;
	s16 =	simm.s32 $0x1  }
0x7: {  	s17 =	simm.s32 $0x0;
	s6 =	sand.u32 $0x1, s3;
	s3 =	simm.s32 $0x0  }
0x8: {  	s4 =	sshll.u32 s1, $0xB;
	s5 =	sadd.s32 $0x400, s5;
	s8 =	sshll.u32 s6, $0xA  }
0x9: {  	v0 =	vlaneseq.u32;
	[smem:$0x7FF] =	sst s3;
	s31 =	ssub.s32 $0x2, s6;
	s4 =	sor.u32 s8, s4  }
0xa: {  	v1 =	vor.u32 $0x10, v0;
	_ =	strace $0x80000047;
	s10 =	sshrl.u32 s31, $0x1;
	s9 =	sshrl.u32 s4, $0x3  }
0xb: {  	v2 =	vor.u32 $0x20, v0;
	v3 =	vor.u32 $0x30, v0;
	v4 =	vor.u32 $0x40, v0;
	s10 =	ssub.s32 s31, s10;
	s6 =	sadd.s32 s2, s9;
	s7 =	sadd.s32 s7, s9  }
0xc: {  	v5 =	vor.u32 $0x50, v0;
	v6 =	vor.u32 $0x60, v0;
	v7 =	vor.u32 $0x70, v0;
	s9 =	smax.u32 s10, $0x1;
	s10 =	simm.s32 $0x2;
	s8 =	sadd.s32 $0x4000, s6  }
.LBB2_1:
0xd: {  	[tilespmem:s3], [sflag:$0x2] =	stream.linear.gather [hbm4b:s5+s3], $0x1000, $0x38;
	[tilespmem:$0x9400] =	vst v63  }
0xe: {  	_ =	swait.ge [sflag:s10], $0x1000  }
0xf: {  	[sflag:s10] =	ssyncset.done $0x0  }
0x10: {  	[sflag:s10] =	ssyncadd.s32 $0xFFFFF000  }
0x11: {  	[tilespmem:s13], [sflag:$0x2] =	stream.strided.gather [hbm4b:s7+s11], $0x6400, s12, s11, $0x38;
	[tilespmem:$0x9400] =	vst v63  }
0x12: {  	_ =	swait.ge [sflag:s10], $0x6400  }
0x13: {  	[sflag:s10] =	ssyncset.done $0x0  }
0x14: {  	[sflag:s10] =	ssyncadd.s32 $0xFFFF9C00  }
0x15: {  	v8 =	vld [tilespmem:$0x1000];
	_ =	sdelay $0x3  }
0x16: {  	v9 =	vadd.s32 s3, v0;
	s18 =	simm.s32 $0x1  }
0x17: {  	v26 =	vand.u32 $0x1F, v9;
	v21 =	vshll.u32 v8, $0x5;
	v8 =	vadd.s32 s18, v0  }
0x18: {  	v9 =	vld [tilespmem:$0x1010];
	v10 =	vor.u32 v21, v26;
	v28 =	vand.u32 $0x1F, v8  }
0x19: {  	v8 =	vor.u32 v21, v28;
	_ =	sdelay $0x1  }
0x1a: {  	v11 =	vld [tilespmem:$0x1020]  }
0x1b: {  	v13 =	vshll.u32 v26, $0x7;
	v12 =	vld [tilespmem:$0x1030]  }
0x1c: {  	v22 =	vshll.u32 v9, $0x5;
	v18 =	vshll.u32 v28, $0x7;
	v9 =	vld.idx.msk [tilespmem:v10+s3+$0x0], $0xffff;
	v10 =	vor.u32 v0, v13  }
0x1d: {  	v15 =	vor.u32 v22, v26;
	v16 =	vor.u32 v0, v18;
	v8 =	vld.idx.msk [tilespmem:v8+s3+$0x0], $0xffff  }
0x1e: {  	v14 =	vld [tilespmem:$0x1040];
	v19 =	vor.u32 v22, v28  }
0x1f: {  	v17 =	vld [tilespmem:$0x1050]  }
0x20: {  	v27 =	vld [tilespmem:$0x1060]  }
0x21: {  	v29 =	vld [tilespmem:$0x1070];
	[tilespmem:v10+s14+$0x0] =	vst.idx.msk $0xffff, v9  }
0x22: {  	s26 =	simm.s32 $0x2;
	v24 =	vshll.u32 v11, $0x5;
	v11 =	vld.idx.msk [tilespmem:v15+s3+$0x0], $0xffff;
	v15 =	vor.u32 v1, v13;
	[tilespmem:v16+s14+$0x0] =	vst.idx.msk $0xffff, v8  }
0x23: {  	v9 =	vadd.s32 s26, v0;
	v8 =	vor.u32 v24, v26;
	v16 =	vld.idx.msk [tilespmem:v19+s3+$0x0], $0xffff;
	v19 =	vor.u32 v1, v18  }
0x24: {  	s28 =	simm.s32 $0x3;
	v20 =	vor.u32 v24, v28;
	v10 =	vand.u32 $0x1F, v9  }
0x25: {  	v9 =	vadd.s32 s28, v0;
	v23 =	vor.u32 v21, v10  }
0x26: {  	v9 =	vand.u32 $0x1F, v9  }
0x27: {  	[tilespmem:v15+s14+$0x0] =	vst.idx.msk $0xffff, v11;
	v15 =	vor.u32 v21, v9  }
0x28: {  	v25 =	vshll.u32 v12, $0x5;
	v12 =	vor.u32 v2, v13;
	v30 =	vld.idx.msk [tilespmem:v8+s3+$0x0], $0xffff;
	[tilespmem:v19+s14+$0x0] =	vst.idx.msk $0xffff, v16  }
0x29: {  	v11 =	vshll.u32 v10, $0x7;
	v16 =	vor.u32 v25, v26;
	v19 =	vld.idx.msk [tilespmem:v20+s3+$0x0], $0xffff;
	v20 =	vor.u32 v2, v18  }
0x2a: {  	v31 =	vor.u32 v25, v28;
	v32 =	vld.idx.msk [tilespmem:v23+s3+$0x0], $0xffff;
	v33 =	vor.u32 v0, v11  }
0x2b: {  	v34 =	vor.u32 v22, v10;
	v8 =	vshll.u32 v9, $0x7  }
0x2c: {  	v35 =	vor.u32 v0, v8;
	v15 =	vld.idx.msk [tilespmem:v15+s3+$0x0], $0xffff  }
0x2d: {  	[tilespmem:v12+s14+$0x0] =	vst.idx.msk $0xffff, v30;
	v12 =	vor.u32 v22, v9  }
0x2e: {  	v23 =	vshll.u32 v14, $0x5;
	v14 =	vld.idx.msk [tilespmem:v16+s3+$0x0], $0xffff;
	[tilespmem:v20+s14+$0x0] =	vst.idx.msk $0xffff, v19;
	v16 =	vor.u32 v3, v13  }
0x2f: {  	v30 =	vor.u32 v23, v26;
	[tilespmem:v33+s14+$0x0] =	vst.idx.msk $0xffff, v32;
	v19 =	vld.idx.msk [tilespmem:v31+s3+$0x0], $0xffff;
	v31 =	vor.u32 v3, v18  }
0x30: {  	v54 =	vor.u32 v1, v11;
	v33 =	vld.idx.msk [tilespmem:v34+s3+$0x0], $0xffff  }
0x31: {  	s29 =	simm.s32 $0x4;
	v55 =	vor.u32 v24, v10;
	[tilespmem:v35+s14+$0x0] =	vst.idx.msk $0xffff, v15  }
0x32: {  	s30 =	simm.s32 $0x5;
	v53 =	vor.u32 v23, v28;
	v37 =	vor.u32 v1, v8;
	v15 =	vadd.s32 s29, v0;
	v36 =	vld.idx.msk [tilespmem:v12+s3+$0x0], $0xffff  }
0x33: {  	v12 =	vand.u32 $0x1F, v15;
	v15 =	vadd.s32 s30, v0;
	[tilespmem:v16+s14+$0x0] =	vst.idx.msk $0xffff, v14;
	v14 =	vor.u32 v24, v9  }
0x34: {  	v16 =	vor.u32 v21, v12;
	v30 =	vld.idx.msk [tilespmem:v30+s3+$0x0], $0xffff;
	[tilespmem:v31+s14+$0x0] =	vst.idx.msk $0xffff, v19;
	v19 =	vor.u32 v4, v13  }
0x35: {  	v60 =	vor.u32 v5, v13;
	v38 =	vor.u32 v4, v18;
	[tilespmem:v54+s14+$0x0] =	vst.idx.msk $0xffff, v33;
	v15 =	vand.u32 $0x1F, v15  }
0x36: {  	v56 =	vor.u32 v2, v11;
	v20 =	vshll.u32 v17, $0x5;
	v34 =	vld.idx.msk [tilespmem:v55+s3+$0x0], $0xffff;
	v57 =	vor.u32 v21, v15  }
0x37: {  	v39 =	vor.u32 v2, v8;
	v31 =	vor.u32 v20, v26;
	v32 =	vld.idx.msk [tilespmem:v53+s3+$0x0], $0xffff;
	[tilespmem:v37+s14+$0x0] =	vst.idx.msk $0xffff, v36  }
0x38: {  	v17 =	vshll.u32 v27, $0x5;
	v27 =	vor.u32 v20, v28;
	v37 =	vld.idx.msk [tilespmem:v14+s3+$0x0], $0xffff;
	v14 =	vshll.u32 v12, $0x7  }
0x39: {  	v58 =	vor.u32 v25, v10;
	v40 =	vld.idx.msk [tilespmem:v16+s3+$0x0], $0xffff;
	[tilespmem:v19+s14+$0x0] =	vst.idx.msk $0xffff, v30;
	v30 =	vor.u32 v0, v14  }
0x3a: {  	v43 =	vor.u32 v5, v18;
	v41 =	vor.u32 v25, v9;
	v16 =	vshll.u32 v15, $0x7  }
0x3b: {  	v59 =	vor.u32 v22, v12;
	[tilespmem:v56+s14+$0x0] =	vst.idx.msk $0xffff, v34;
	v61 =	vld.idx.msk [tilespmem:v57+s3+$0x0], $0xffff;
	v62 =	vor.u32 v0, v16  }
0x3c: {  	v48 =	vor.u32 v23, v10;
	v45 =	vor.u32 v22, v15;
	v31 =	vld.idx.msk [tilespmem:v31+s3+$0x0], $0xffff;
	[tilespmem:v38+s14+$0x0] =	vst.idx.msk $0xffff, v32  }
0x3d: {  	v49 =	vor.u32 v3, v8;
	v42 =	vor.u32 v17, v26;
	v27 =	vld.idx.msk [tilespmem:v27+s3+$0x0], $0xffff;
	[tilespmem:v39+s14+$0x0] =	vst.idx.msk $0xffff, v37  }
0x3e: {  	v44 =	vor.u32 v17, v28;
	v46 =	vld.idx.msk [tilespmem:v58+s3+$0x0], $0xffff;
	[tilespmem:v30+s14+$0x0] =	vst.idx.msk $0xffff, v40;
	v30 =	vor.u32 v3, v11  }
0x3f: {  	s31 =	simm.s32 $0x6;
	v51 =	vor.u32 v23, v9;
	v35 =	vor.u32 v4, v11;
	v36 =	vor.u32 v6, v18;
	v47 =	vld.idx.msk [tilespmem:v41+s3+$0x0], $0xffff  }
0x40: {  	v63 =	vadd.s32 s31, v0;
	v19 =	vshll.u32 v29, $0x5;
	v50 =	vor.u32 v1, v14;
	[tilespmem:v62+s14+$0x0] =	vst.idx.msk $0xffff, v61;
	v32 =	vld.idx.msk [tilespmem:v59+s3+$0x0], $0xffff  }
0x41: {  	v38 =	vor.u32 v6, v13;
	v40 =	vor.u32 v24, v12;
	[tilespmem:v60+s14+$0x0] =	vst.idx.msk $0xffff, v31;
	v39 =	vld.idx.msk [tilespmem:v45+s3+$0x0], $0xffff  }
0x42: {  	v29 =	vor.u32 v19, v26;
	v26 =	vand.u32 $0x1F, v63;
	v34 =	vld.idx.msk [tilespmem:v42+s3+$0x0], $0xffff;
	[tilespmem:v43+s14+$0x0] =	vst.idx.msk $0xffff, v27  }
0x43: {  	v37 =	vor.u32 v2, v14;
	v41 =	vor.u32 v1, v16;
	v33 =	vld.idx.msk [tilespmem:v44+s3+$0x0], $0xffff;
	[tilespmem:v30+s14+$0x0] =	vst.idx.msk $0xffff, v46  }
0x44: {  	v27 =	vor.u32 v20, v10;
	v30 =	vor.u32 v19, v28;
	[tilespmem:v49+s14+$0x0] =	vst.idx.msk $0xffff, v47;
	v31 =	vld.idx.msk [tilespmem:v48+s3+$0x0], $0xffff  }
0x45: {  	s19 =	simm.s32 $0x7;
	s18 =	simm.s32 $0x8;
	v42 =	vor.u32 v24, v15;
	v28 =	vor.u32 v21, v26;
	[tilespmem:v50+s14+$0x0] =	vst.idx.msk $0xffff, v32;
	v32 =	vld.idx.msk [tilespmem:v51+s3+$0x0], $0xffff  }
.LBB2_2:
0x46: {  	v43 =	vadd.s32 s19, v0;
	v40 =	vld.idx.msk [tilespmem:v40+s3+$0x0], $0xffff;
	v44 =	vor.u32 v4, v8  }
0x47: {  	p0 =	slt.u32 s18, $0x1E;
	[tilespmem:v38+s14+$0x0] =	vst.idx.msk $0xffff, v34;
	v45 =	vmovc v9;
	v9 =	vmovc v15;
	v46 =	vmov v10;
	v10 =	vmov v12;
	v12 =	vmov v26  }
0x48: {  	v15 =	vand.u32 $0x1F, v43;
	v26 =	vor.u32 v20, v45;
	v29 =	vld.idx.msk [tilespmem:v29+s3+$0x0], $0xffff;
	[tilespmem:v36+s14+$0x0] =	vst.idx.msk $0xffff, v33  }
0x49: {  	v34 =	vor.u32 v7, v13;
	v33 =	vor.u32 v21, v15;
	[tilespmem:v41+s14+$0x0] =	vst.idx.msk $0xffff, v39;
	v30 =	vld.idx.msk [tilespmem:v30+s3+$0x0], $0xffff  }
0x4a: {  	v18 =	vor.u32 v7, v18;
	v36 =	vor.u32 v25, v10;
	v39 =	vor.u32 v17, v46;
	v38 =	vld.idx.msk [tilespmem:v42+s3+$0x0], $0xffff  }
0x4b: {  	v13 =	vmov v11;
	v41 =	vshll.u32 v12, $0x7;
	v42 =	vor.u32 v2, v16;
	v28 =	vld.idx.msk [tilespmem:v28+s3+$0x0], $0xffff;
	[tilespmem:v35+s14+$0x0] =	vst.idx.msk $0xffff, v31  }
0x4c: {  	v31 =	vor.u32 v0, v41;
	v35 =	vor.u32 v25, v9;
	v27 =	vld.idx.msk [tilespmem:v27+s3+$0x0], $0xffff;
	[tilespmem:v44+s14+$0x0] =	vst.idx.msk $0xffff, v32  }
0x4d: {  	v32 =	vor.u32 v22, v12;
	[tilespmem:v37+s14+$0x0] =	vst.idx.msk $0xffff, v40;
	v37 =	vor.u32 v5, v13;
	v26 =	vld.idx.msk [tilespmem:v26+s3+$0x0], $0xffff  }
0x4e: {  	v11 =	vmov v14;
	v43 =	vor.u32 v5, v8;
	v40 =	vshll.u32 v15, $0x7;
	v33 =	vld.idx.msk [tilespmem:v33+s3+$0x0], $0xffff;
	[tilespmem:v34+s14+$0x0] =	vst.idx.msk $0xffff, v29  }
0x4f: {  	v14 =	vmov v41;
	v44 =	vor.u32 v17, v45;
	v29 =	vor.u32 v0, v40;
	[tilespmem:v18+s14+$0x0] =	vst.idx.msk $0xffff, v30  }
0x50: {  	v30 =	vor.u32 v22, v15;
	v18 =	vmov v8;
	v8 =	vmov v16;
	v47 =	vld.idx.msk [tilespmem:v36+s3+$0x0], $0xffff;
	[tilespmem:v42+s14+$0x0] =	vst.idx.msk $0xffff, v38  }
0x51: {  	v41 =	vadd.s32 s18, v0;
	v16 =	vmov v40;
	[tilespmem:v31+s14+$0x0] =	vst.idx.msk $0xffff, v28;
	v28 =	vor.u32 v3, v11;
	v35 =	vld.idx.msk [tilespmem:v35+s3+$0x0], $0xffff  }
0x52: {  	v48 =	vor.u32 v3, v8;
	v31 =	vor.u32 v23, v10;
	v32 =	vld.idx.msk [tilespmem:v32+s3+$0x0], $0xffff;
	[tilespmem:v37+s14+$0x0] =	vst.idx.msk $0xffff, v27  }
0x53: {  	v49 =	vor.u32 v23, v9;
	v37 =	vor.u32 v1, v14;
	v34 =	vld.idx.msk [tilespmem:v39+s3+$0x0], $0xffff;
	[tilespmem:v43+s14+$0x0] =	vst.idx.msk $0xffff, v26  }
.Ltmp0:
0x54: {  	v40 =	vor.u32 v24, v12;
	v38 =	vor.u32 v6, v13;
	[tilespmem:v29+s14+$0x0] =	vst.idx.msk $0xffff, v33;
	v33 =	vld.idx.msk [tilespmem:v44+s3+$0x0], $0xffff;
	(pc) =	sbr.rel @p0 .LBB2_2-.Ltmp0, $4  }
0x55: {  	v36 =	vor.u32 v6, v18;
	v27 =	vor.u32 v20, v10;
	v29 =	vor.u32 v19, v46;
	v39 =	vld.idx.msk [tilespmem:v30+s3+$0x0], $0xffff  }
0x56: {  	v26 =	vand.u32 $0x1F, v41;
	v41 =	vor.u32 v1, v16;
	v30 =	vor.u32 v19, v45;
	[tilespmem:v28+s14+$0x0] =	vst.idx.msk $0xffff, v47  }
0x57: {  	v42 =	vor.u32 v24, v15;
	v28 =	vor.u32 v21, v26;
	v31 =	vld.idx.msk [tilespmem:v31+s3+$0x0], $0xffff;
	[tilespmem:v48+s14+$0x0] =	vst.idx.msk $0xffff, v35  }
0x58: {  	s19 =	sadd.s32 $0x1, s18;
	s18 =	sadd.s32 $0x2, s18;
	v35 =	vor.u32 v4, v11;
	[tilespmem:v37+s14+$0x0] =	vst.idx.msk $0xffff, v32;
	v37 =	vor.u32 v2, v14;
	v32 =	vld.idx.msk [tilespmem:v49+s3+$0x0], $0xffff  }
0x59: {  	v43 =	vadd.s32 s19, v0  }
0x5a: {  	v43 =	vand.u32 $0x1F, v43  }
0x5b: {  	v44 =	vor.u32 v21, v43;
	_ =	sdelay $0x2  }
0x5c: {  	v21 =	vshll.u32 v26, $0x7  }
0x5d: {  	v45 =	vld.idx.msk [tilespmem:v28+s3+$0x0], $0xffff;
	v28 =	vshll.u32 v43, $0x7;
	v46 =	vor.u32 v0, v21  }
0x5e: {  	v47 =	vor.u32 v22, v26;
	v48 =	vor.u32 v0, v28;
	v44 =	vld.idx.msk [tilespmem:v44+s3+$0x0], $0xffff  }
0x5f: {  	v22 =	vor.u32 v22, v43;
	_ =	sdelay $0x2  }
0x60: {  	[tilespmem:v46+s14+$0x0] =	vst.idx.msk $0xffff, v45  }
0x61: {  	v56 =	vor.u32 v1, v21;
	v45 =	vld.idx.msk [tilespmem:v47+s3+$0x0], $0xffff;
	[tilespmem:v48+s14+$0x0] =	vst.idx.msk $0xffff, v44  }
0x62: {  	v57 =	vor.u32 v24, v26;
	v58 =	vor.u32 v1, v28;
	v22 =	vld.idx.msk [tilespmem:v22+s3+$0x0], $0xffff  }
0x63: {  	v24 =	vor.u32 v24, v43;
	_ =	sdelay $0x1  }
0x64: {  	v59 =	vld.idx.msk [tilespmem:v40+s3+$0x0], $0xffff;
	[tilespmem:v41+s14+$0x0] =	vst.idx.msk $0xffff, v39  }
0x65: {  	v60 =	vor.u32 v25, v12;
	v61 =	vor.u32 v2, v16;
	v41 =	vld.idx.msk [tilespmem:v42+s3+$0x0], $0xffff;
	[tilespmem:v56+s14+$0x0] =	vst.idx.msk $0xffff, v45  }
0x66: {  	v62 =	vor.u32 v2, v21;
	v44 =	vld.idx.msk [tilespmem:v57+s3+$0x0], $0xffff;
	[tilespmem:v58+s14+$0x0] =	vst.idx.msk $0xffff, v22;
	v22 =	vor.u32 v25, v15  }
0x67: {  	[tilespmem:v38+s14+$0x0] =	vst.idx.msk $0xffff, v34;
	v63 =	vor.u32 v25, v26;
	v46 =	vor.u32 v2, v28;
	v24 =	vld.idx.msk [tilespmem:v24+s3+$0x0], $0xffff  }
0x68: {  	[tilespmem:v36+s14+$0x0] =	vst.idx.msk $0xffff, v33;
	v25 =	vor.u32 v25, v43  }
0x69: {  	v13 =	vor.u32 v7, v13;
	v29 =	vld.idx.msk [tilespmem:v29+s3+$0x0], $0xffff;
	[tilespmem:v37+s14+$0x0] =	vst.idx.msk $0xffff, v59  }
0x6a: {  	v49 =	vor.u32 v3, v14;
	[tilespmem:v61+s14+$0x0] =	vst.idx.msk $0xffff, v41;
	v48 =	vld.idx.msk [tilespmem:v60+s3+$0x0], $0xffff  }
0x6b: {  	v50 =	vor.u32 v23, v12;
	v51 =	vor.u32 v3, v16;
	[tilespmem:v62+s14+$0x0] =	vst.idx.msk $0xffff, v44;
	v22 =	vld.idx.msk [tilespmem:v22+s3+$0x0], $0xffff  }
0x6c: {  	v52 =	vor.u32 v23, v15;
	v34 =	vld.idx.msk [tilespmem:v63+s3+$0x0], $0xffff;
	[tilespmem:v46+s14+$0x0] =	vst.idx.msk $0xffff, v24;
	v24 =	vor.u32 v3, v21  }
0x6d: {  	[tilespmem:v35+s14+$0x0] =	vst.idx.msk $0xffff, v31;
	v31 =	vor.u32 v23, v26;
	v53 =	vor.u32 v3, v28;
	v25 =	vld.idx.msk [tilespmem:v25+s3+$0x0], $0xffff  }
0x6e: {  	v18 =	vor.u32 v7, v18;
	v30 =	vld.idx.msk [tilespmem:v30+s3+$0x0], $0xffff;
	v23 =	vor.u32 v23, v43;
	[tilespmem:v13+s14+$0x0] =	vst.idx.msk $0xffff, v29  }
0x6f: {  	v47 =	vor.u32 v4, v8;
	[tilespmem:v49+s14+$0x0] =	vst.idx.msk $0xffff, v48  }
0x70: {  	v54 =	vor.u32 v20, v9;
	v55 =	vld.idx.msk [tilespmem:v50+s3+$0x0], $0xffff;
	[tilespmem:v51+s14+$0x0] =	vst.idx.msk $0xffff, v22;
	v22 =	vor.u32 v4, v14  }
0x71: {  	v56 =	vor.u32 v20, v12;
	v58 =	vor.u32 v4, v16;
	v57 =	vld.idx.msk [tilespmem:v52+s3+$0x0], $0xffff;
	[tilespmem:v24+s14+$0x0] =	vst.idx.msk $0xffff, v34  }
0x72: {  	v24 =	vor.u32 v20, v15;
	v31 =	vld.idx.msk [tilespmem:v31+s3+$0x0], $0xffff;
	[tilespmem:v53+s14+$0x0] =	vst.idx.msk $0xffff, v25;
	v25 =	vor.u32 v4, v21  }
0x73: {  	v13 =	vor.u32 v20, v26;
	v29 =	vor.u32 v4, v28;
	[tilespmem:v18+s14+$0x0] =	vst.idx.msk $0xffff, v30;
	v23 =	vld.idx.msk [tilespmem:v23+s3+$0x0], $0xffff  }
0x74: {  	v27 =	vld.idx.msk [tilespmem:v27+s3+$0x0], $0xffff;
	v59 =	vor.u32 v5, v11;
	v18 =	vor.u32 v20, v43;
	[tilespmem:v47+s14+$0x0] =	vst.idx.msk $0xffff, v32  }
0x75: {  	v60 =	vor.u32 v5, v8;
	v30 =	vld.idx.msk [tilespmem:v54+s3+$0x0], $0xffff;
	v20 =	vor.u32 v17, v10;
	[tilespmem:v22+s14+$0x0] =	vst.idx.msk $0xffff, v55  }
0x76: {  	v61 =	vor.u32 v5, v14;
	v22 =	vor.u32 v17, v9;
	v33 =	vld.idx.msk [tilespmem:v56+s3+$0x0], $0xffff;
	[tilespmem:v58+s14+$0x0] =	vst.idx.msk $0xffff, v57  }
0x77: {  	v62 =	vor.u32 v17, v12;
	v63 =	vor.u32 v5, v16;
	v24 =	vld.idx.msk [tilespmem:v24+s3+$0x0], $0xffff;
	[tilespmem:v25+s14+$0x0] =	vst.idx.msk $0xffff, v31  }
0x78: {  	v25 =	vor.u32 v17, v15;
	v13 =	vld.idx.msk [tilespmem:v13+s3+$0x0], $0xffff;
	[tilespmem:v29+s14+$0x0] =	vst.idx.msk $0xffff, v23;
	v23 =	vor.u32 v5, v21  }
0x79: {  	[tilespmem:v59+s14+$0x0] =	vst.idx.msk $0xffff, v27;
	v27 =	vor.u32 v17, v26;
	v29 =	vor.u32 v5, v28;
	v18 =	vld.idx.msk [tilespmem:v18+s3+$0x0], $0xffff  }
0x7a: {  	[tilespmem:v60+s14+$0x0] =	vst.idx.msk $0xffff, v30;
	v30 =	vor.u32 v6, v11;
	v20 =	vld.idx.msk [tilespmem:v20+s3+$0x0], $0xffff;
	v17 =	vor.u32 v17, v43  }
0x7b: {  	v10 =	vor.u32 v19, v10;
	v31 =	vor.u32 v6, v8;
	v22 =	vld.idx.msk [tilespmem:v22+s3+$0x0], $0xffff;
	[tilespmem:v61+s14+$0x0] =	vst.idx.msk $0xffff, v33  }
0x7c: {  	v9 =	vor.u32 v19, v9;
	v38 =	vld.idx.msk [tilespmem:v62+s3+$0x0], $0xffff;
	[tilespmem:v63+s14+$0x0] =	vst.idx.msk $0xffff, v24;
	v24 =	vor.u32 v6, v14  }
0x7d: {  	v39 =	vor.u32 v6, v16;
	v12 =	vor.u32 v19, v12;
	v25 =	vld.idx.msk [tilespmem:v25+s3+$0x0], $0xffff;
	[tilespmem:v23+s14+$0x0] =	vst.idx.msk $0xffff, v13  }
0x7e: {  	v13 =	vor.u32 v19, v15;
	v15 =	vld.idx.msk [tilespmem:v27+s3+$0x0], $0xffff;
	[tilespmem:v29+s14+$0x0] =	vst.idx.msk $0xffff, v18;
	v18 =	vor.u32 v6, v21  }
0x7f: {  	[tilespmem:v30+s14+$0x0] =	vst.idx.msk $0xffff, v20;
	v20 =	vor.u32 v19, v26;
	v23 =	vor.u32 v6, v28;
	v17 =	vld.idx.msk [tilespmem:v17+s3+$0x0], $0xffff  }
0x80: {  	v11 =	vor.u32 v7, v11;
	v10 =	vld.idx.msk [tilespmem:v10+s3+$0x0], $0xffff;
	v19 =	vor.u32 v19, v43;
	[tilespmem:v31+s14+$0x0] =	vst.idx.msk $0xffff, v22  }
0x81: {  	v8 =	vor.u32 v7, v8;
	v9 =	vld.idx.msk [tilespmem:v9+s3+$0x0], $0xffff;
	[tilespmem:v24+s14+$0x0] =	vst.idx.msk $0xffff, v38  }
0x82: {  	v14 =	vor.u32 v7, v14;
	v12 =	vld.idx.msk [tilespmem:v12+s3+$0x0], $0xffff;
	[tilespmem:v39+s14+$0x0] =	vst.idx.msk $0xffff, v25  }
0x83: {  	v16 =	vor.u32 v7, v16;
	v13 =	vld.idx.msk [tilespmem:v13+s3+$0x0], $0xffff;
	[tilespmem:v18+s14+$0x0] =	vst.idx.msk $0xffff, v15  }
0x84: {  	v15 =	vld.idx.msk [tilespmem:v20+s3+$0x0], $0xffff;
	[tilespmem:v23+s14+$0x0] =	vst.idx.msk $0xffff, v17;
	v17 =	vor.u32 v7, v21  }
0x85: {  	[tilespmem:v11+s14+$0x0] =	vst.idx.msk $0xffff, v10;
	v11 =	vor.u32 v7, v28;
	v10 =	vld.idx.msk [tilespmem:v19+s3+$0x0], $0xffff  }
0x86: {  	[tilespmem:v8+s14+$0x0] =	vst.idx.msk $0xffff, v9  }
0x87: {  	[tilespmem:v14+s14+$0x0] =	vst.idx.msk $0xffff, v12  }
0x88: {  	[tilespmem:v16+s14+$0x0] =	vst.idx.msk $0xffff, v13  }
0x89: {  	[tilespmem:v17+s14+$0x0] =	vst.idx.msk $0xffff, v15  }
0x8a: {  	[tilespmem:v11+s14+$0x0] =	vst.idx.msk $0xffff, v10  }
0x8b: {  	[hbm4b:s6+s11] =	stream.strided.scatter [tilespmem:s14], [sflag:$0x1], $0x1000, s12, s11, $0x38;
	[tilespmem:$0x9400] =	vst v63  }
0x8c: {  	v8 =	vld [tilespmem:$0x1080];
	_ =	sdelay $0x2  }
0x8d: {  	s18 =	simm.s32 $0x0  }
0x8e: {  	s25 =	simm.s32 $0x1;
	v9 =	vadd.s32 s18, v0  }
0x8f: {  	v26 =	vand.u32 $0x1F, v9;
	v21 =	vshll.u32 v8, $0x5;
	v8 =	vadd.s32 s25, v0  }
0x90: {  	v9 =	vld [tilespmem:$0x1090];
	v10 =	vor.u32 v21, v26;
	v28 =	vand.u32 $0x1F, v8  }
0x91: {  	v8 =	vor.u32 v21, v28;
	_ =	sdelay $0x1  }
0x92: {  	v11 =	vld [tilespmem:$0x10A0]  }
0x93: {  	v13 =	vshll.u32 v26, $0x7;
	v12 =	vld [tilespmem:$0x10B0]  }
0x94: {  	v22 =	vshll.u32 v9, $0x5;
	v18 =	vshll.u32 v28, $0x7;
	v9 =	vld.idx.msk [tilespmem:v10+s3+$0x0], $0xffff;
	v10 =	vor.u32 v0, v13  }
0x95: {  	v15 =	vor.u32 v22, v26;
	v16 =	vor.u32 v0, v18;
	v8 =	vld.idx.msk [tilespmem:v8+s3+$0x0], $0xffff  }
0x96: {  	v14 =	vld [tilespmem:$0x10C0];
	v19 =	vor.u32 v22, v28  }
0x97: {  	v17 =	vld [tilespmem:$0x10D0]  }
0x98: {  	v27 =	vld [tilespmem:$0x10E0]  }
0x99: {  	v29 =	vld [tilespmem:$0x10F0];
	[tilespmem:v10+s15+$0x0] =	vst.idx.msk $0xffff, v9  }
0x9a: {  	s26 =	simm.s32 $0x2;
	v24 =	vshll.u32 v11, $0x5;
	v11 =	vld.idx.msk [tilespmem:v15+s3+$0x0], $0xffff;
	v15 =	vor.u32 v1, v13;
	[tilespmem:v16+s15+$0x0] =	vst.idx.msk $0xffff, v8  }
0x9b: {  	v9 =	vadd.s32 s26, v0;
	v8 =	vor.u32 v24, v26;
	v16 =	vld.idx.msk [tilespmem:v19+s3+$0x0], $0xffff;
	v19 =	vor.u32 v1, v18  }
0x9c: {  	s28 =	simm.s32 $0x3;
	v20 =	vor.u32 v24, v28;
	v10 =	vand.u32 $0x1F, v9  }
0x9d: {  	v9 =	vadd.s32 s28, v0;
	v23 =	vor.u32 v21, v10  }
0x9e: {  	v9 =	vand.u32 $0x1F, v9  }
0x9f: {  	[tilespmem:v15+s15+$0x0] =	vst.idx.msk $0xffff, v11;
	v15 =	vor.u32 v21, v9  }
0xa0: {  	v25 =	vshll.u32 v12, $0x5;
	v12 =	vor.u32 v2, v13;
	v30 =	vld.idx.msk [tilespmem:v8+s3+$0x0], $0xffff;
	[tilespmem:v19+s15+$0x0] =	vst.idx.msk $0xffff, v16  }
0xa1: {  	v11 =	vshll.u32 v10, $0x7;
	v16 =	vor.u32 v25, v26;
	v19 =	vld.idx.msk [tilespmem:v20+s3+$0x0], $0xffff;
	v20 =	vor.u32 v2, v18  }
0xa2: {  	v31 =	vor.u32 v25, v28;
	v32 =	vld.idx.msk [tilespmem:v23+s3+$0x0], $0xffff;
	v40 =	vor.u32 v0, v11  }
0xa3: {  	v41 =	vor.u32 v22, v10;
	v8 =	vshll.u32 v9, $0x7  }
0xa4: {  	v42 =	vor.u32 v0, v8;
	v15 =	vld.idx.msk [tilespmem:v15+s3+$0x0], $0xffff  }
0xa5: {  	[tilespmem:v12+s15+$0x0] =	vst.idx.msk $0xffff, v30;
	v12 =	vor.u32 v22, v9  }
0xa6: {  	v23 =	vshll.u32 v14, $0x5;
	v14 =	vld.idx.msk [tilespmem:v16+s3+$0x0], $0xffff;
	[tilespmem:v20+s15+$0x0] =	vst.idx.msk $0xffff, v19;
	v16 =	vor.u32 v3, v13  }
0xa7: {  	v30 =	vor.u32 v23, v26;
	[tilespmem:v40+s15+$0x0] =	vst.idx.msk $0xffff, v32;
	v19 =	vld.idx.msk [tilespmem:v31+s3+$0x0], $0xffff;
	v31 =	vor.u32 v3, v18  }
0xa8: {  	v44 =	vor.u32 v1, v11;
	v33 =	vld.idx.msk [tilespmem:v41+s3+$0x0], $0xffff  }
0xa9: {  	s29 =	simm.s32 $0x4;
	v45 =	vor.u32 v24, v10;
	[tilespmem:v42+s15+$0x0] =	vst.idx.msk $0xffff, v15  }
0xaa: {  	s30 =	simm.s32 $0x5;
	v43 =	vor.u32 v23, v28;
	v47 =	vor.u32 v1, v8;
	v15 =	vadd.s32 s29, v0;
	v46 =	vld.idx.msk [tilespmem:v12+s3+$0x0], $0xffff  }
0xab: {  	v12 =	vand.u32 $0x1F, v15;
	v15 =	vadd.s32 s30, v0;
	[tilespmem:v16+s15+$0x0] =	vst.idx.msk $0xffff, v14;
	v14 =	vor.u32 v24, v9  }
0xac: {  	v16 =	vor.u32 v21, v12;
	v30 =	vld.idx.msk [tilespmem:v30+s3+$0x0], $0xffff;
	[tilespmem:v31+s15+$0x0] =	vst.idx.msk $0xffff, v19;
	v19 =	vor.u32 v4, v13  }
0xad: {  	v55 =	vor.u32 v5, v13;
	v48 =	vor.u32 v4, v18;
	[tilespmem:v44+s15+$0x0] =	vst.idx.msk $0xffff, v33;
	v15 =	vand.u32 $0x1F, v15  }
0xae: {  	v49 =	vor.u32 v2, v11;
	v20 =	vshll.u32 v17, $0x5;
	v34 =	vld.idx.msk [tilespmem:v45+s3+$0x0], $0xffff;
	v50 =	vor.u32 v21, v15  }
0xaf: {  	v52 =	vor.u32 v2, v8;
	v31 =	vor.u32 v20, v26;
	v32 =	vld.idx.msk [tilespmem:v43+s3+$0x0], $0xffff;
	[tilespmem:v47+s15+$0x0] =	vst.idx.msk $0xffff, v46  }
0xb0: {  	v17 =	vshll.u32 v27, $0x5;
	v27 =	vor.u32 v20, v28;
	v37 =	vld.idx.msk [tilespmem:v14+s3+$0x0], $0xffff;
	v14 =	vshll.u32 v12, $0x7  }
0xb1: {  	v51 =	vor.u32 v25, v10;
	v40 =	vld.idx.msk [tilespmem:v16+s3+$0x0], $0xffff;
	[tilespmem:v19+s15+$0x0] =	vst.idx.msk $0xffff, v30;
	v30 =	vor.u32 v0, v14  }
0xb2: {  	v38 =	vor.u32 v6, v13;
	v53 =	vor.u32 v25, v9;
	v16 =	vshll.u32 v15, $0x7  }
0xb3: {  	v54 =	vor.u32 v22, v12;
	[tilespmem:v49+s15+$0x0] =	vst.idx.msk $0xffff, v34;
	v58 =	vld.idx.msk [tilespmem:v50+s3+$0x0], $0xffff;
	v59 =	vor.u32 v0, v16  }
0xb4: {  	v57 =	vor.u32 v5, v18;
	v61 =	vor.u32 v22, v15;
	v31 =	vld.idx.msk [tilespmem:v31+s3+$0x0], $0xffff;
	[tilespmem:v48+s15+$0x0] =	vst.idx.msk $0xffff, v32  }
0xb5: {  	v36 =	vor.u32 v6, v18;
	v56 =	vor.u32 v17, v26;
	v27 =	vld.idx.msk [tilespmem:v27+s3+$0x0], $0xffff;
	[tilespmem:v52+s15+$0x0] =	vst.idx.msk $0xffff, v37  }
0xb6: {  	v60 =	vor.u32 v17, v28;
	v46 =	vld.idx.msk [tilespmem:v51+s3+$0x0], $0xffff;
	[tilespmem:v30+s15+$0x0] =	vst.idx.msk $0xffff, v40;
	v30 =	vor.u32 v3, v11  }
0xb7: {  	v35 =	vor.u32 v4, v11;
	v63 =	vor.u32 v23, v10;
	v49 =	vor.u32 v3, v8;
	v47 =	vld.idx.msk [tilespmem:v53+s3+$0x0], $0xffff  }
0xb8: {  	v50 =	vor.u32 v1, v14;
	v51 =	vor.u32 v23, v9;
	[tilespmem:v59+s15+$0x0] =	vst.idx.msk $0xffff, v58;
	v32 =	vld.idx.msk [tilespmem:v54+s3+$0x0], $0xffff  }
0xb9: {  	s31 =	simm.s32 $0x6;
	v42 =	vor.u32 v24, v15;
	v40 =	vor.u32 v24, v12;
	[tilespmem:v55+s15+$0x0] =	vst.idx.msk $0xffff, v31;
	v39 =	vld.idx.msk [tilespmem:v61+s3+$0x0], $0xffff  }
0xba: {  	v62 =	vadd.s32 s31, v0;
	v19 =	vshll.u32 v29, $0x5;
	v41 =	vor.u32 v1, v16;
	v34 =	vld.idx.msk [tilespmem:v56+s3+$0x0], $0xffff;
	[tilespmem:v57+s15+$0x0] =	vst.idx.msk $0xffff, v27  }
0xbb: {  	v29 =	vor.u32 v19, v26;
	v26 =	vand.u32 $0x1F, v62;
	v33 =	vld.idx.msk [tilespmem:v60+s3+$0x0], $0xffff;
	[tilespmem:v30+s15+$0x0] =	vst.idx.msk $0xffff, v46  }
0xbc: {  	v37 =	vor.u32 v2, v14;
	v30 =	vor.u32 v19, v28;
	[tilespmem:v49+s15+$0x0] =	vst.idx.msk $0xffff, v47;
	v31 =	vld.idx.msk [tilespmem:v63+s3+$0x0], $0xffff  }
0xbd: {  	s19 =	simm.s32 $0x7;
	s18 =	simm.s32 $0x8;
	v27 =	vor.u32 v20, v10;
	v28 =	vor.u32 v21, v26;
	[tilespmem:v50+s15+$0x0] =	vst.idx.msk $0xffff, v32;
	v32 =	vld.idx.msk [tilespmem:v51+s3+$0x0], $0xffff  }
.LBB2_4:
0xbe: {  	v43 =	vadd.s32 s19, v0;
	v40 =	vld.idx.msk [tilespmem:v40+s3+$0x0], $0xffff;
	v44 =	vor.u32 v4, v8  }
0xbf: {  	p0 =	slt.u32 s18, $0x1E;
	[tilespmem:v38+s15+$0x0] =	vst.idx.msk $0xffff, v34;
	v45 =	vmovc v9;
	v9 =	vmovc v15;
	v46 =	vmov v10;
	v10 =	vmov v12;
	v12 =	vmov v26  }
0xc0: {  	v15 =	vand.u32 $0x1F, v43;
	v26 =	vor.u32 v20, v45;
	v29 =	vld.idx.msk [tilespmem:v29+s3+$0x0], $0xffff;
	[tilespmem:v36+s15+$0x0] =	vst.idx.msk $0xffff, v33  }
0xc1: {  	v34 =	vor.u32 v7, v13;
	v33 =	vor.u32 v21, v15;
	[tilespmem:v41+s15+$0x0] =	vst.idx.msk $0xffff, v39;
	v30 =	vld.idx.msk [tilespmem:v30+s3+$0x0], $0xffff  }
0xc2: {  	v18 =	vor.u32 v7, v18;
	v36 =	vor.u32 v25, v10;
	v39 =	vor.u32 v17, v46;
	v38 =	vld.idx.msk [tilespmem:v42+s3+$0x0], $0xffff  }
0xc3: {  	v13 =	vmov v11;
	v41 =	vshll.u32 v12, $0x7;
	v42 =	vor.u32 v2, v16;
	v28 =	vld.idx.msk [tilespmem:v28+s3+$0x0], $0xffff;
	[tilespmem:v35+s15+$0x0] =	vst.idx.msk $0xffff, v31  }
0xc4: {  	v31 =	vor.u32 v0, v41;
	v35 =	vor.u32 v25, v9;
	v27 =	vld.idx.msk [tilespmem:v27+s3+$0x0], $0xffff;
	[tilespmem:v44+s15+$0x0] =	vst.idx.msk $0xffff, v32  }
0xc5: {  	v32 =	vor.u32 v22, v12;
	[tilespmem:v37+s15+$0x0] =	vst.idx.msk $0xffff, v40;
	v37 =	vor.u32 v5, v13;
	v26 =	vld.idx.msk [tilespmem:v26+s3+$0x0], $0xffff  }
0xc6: {  	v11 =	vmov v14;
	v43 =	vor.u32 v5, v8;
	v40 =	vshll.u32 v15, $0x7;
	v33 =	vld.idx.msk [tilespmem:v33+s3+$0x0], $0xffff;
	[tilespmem:v34+s15+$0x0] =	vst.idx.msk $0xffff, v29  }
0xc7: {  	v14 =	vmov v41;
	v44 =	vor.u32 v17, v45;
	v29 =	vor.u32 v0, v40;
	[tilespmem:v18+s15+$0x0] =	vst.idx.msk $0xffff, v30  }
0xc8: {  	v30 =	vor.u32 v22, v15;
	v18 =	vmov v8;
	v8 =	vmov v16;
	v47 =	vld.idx.msk [tilespmem:v36+s3+$0x0], $0xffff;
	[tilespmem:v42+s15+$0x0] =	vst.idx.msk $0xffff, v38  }
0xc9: {  	v41 =	vadd.s32 s18, v0;
	v16 =	vmov v40;
	[tilespmem:v31+s15+$0x0] =	vst.idx.msk $0xffff, v28;
	v28 =	vor.u32 v3, v11;
	v35 =	vld.idx.msk [tilespmem:v35+s3+$0x0], $0xffff  }
0xca: {  	v48 =	vor.u32 v3, v8;
	v31 =	vor.u32 v23, v10;
	v32 =	vld.idx.msk [tilespmem:v32+s3+$0x0], $0xffff;
	[tilespmem:v37+s15+$0x0] =	vst.idx.msk $0xffff, v27  }
0xcb: {  	v49 =	vor.u32 v23, v9;
	v37 =	vor.u32 v1, v14;
	v34 =	vld.idx.msk [tilespmem:v39+s3+$0x0], $0xffff;
	[tilespmem:v43+s15+$0x0] =	vst.idx.msk $0xffff, v26  }
.Ltmp1:
0xcc: {  	v40 =	vor.u32 v24, v12;
	v38 =	vor.u32 v6, v13;
	[tilespmem:v29+s15+$0x0] =	vst.idx.msk $0xffff, v33;
	v33 =	vld.idx.msk [tilespmem:v44+s3+$0x0], $0xffff;
	(pc) =	sbr.rel @p0 .LBB2_4-.Ltmp1, $4  }
0xcd: {  	v36 =	vor.u32 v6, v18;
	v27 =	vor.u32 v20, v10;
	v29 =	vor.u32 v19, v46;
	v39 =	vld.idx.msk [tilespmem:v30+s3+$0x0], $0xffff  }
0xce: {  	v26 =	vand.u32 $0x1F, v41;
	v41 =	vor.u32 v1, v16;
	v30 =	vor.u32 v19, v45;
	[tilespmem:v28+s15+$0x0] =	vst.idx.msk $0xffff, v47  }
0xcf: {  	v42 =	vor.u32 v24, v15;
	v28 =	vor.u32 v21, v26;
	v31 =	vld.idx.msk [tilespmem:v31+s3+$0x0], $0xffff;
	[tilespmem:v48+s15+$0x0] =	vst.idx.msk $0xffff, v35  }
0xd0: {  	s19 =	sadd.s32 $0x1, s18;
	s18 =	sadd.s32 $0x2, s18;
	v35 =	vor.u32 v4, v11;
	[tilespmem:v37+s15+$0x0] =	vst.idx.msk $0xffff, v32;
	v37 =	vor.u32 v2, v14;
	v32 =	vld.idx.msk [tilespmem:v49+s3+$0x0], $0xffff  }
0xd1: {  	v43 =	vadd.s32 s19, v0  }
0xd2: {  	v43 =	vand.u32 $0x1F, v43  }
0xd3: {  	v44 =	vor.u32 v21, v43;
	_ =	sdelay $0x2  }
0xd4: {  	v21 =	vshll.u32 v26, $0x7  }
0xd5: {  	v45 =	vld.idx.msk [tilespmem:v28+s3+$0x0], $0xffff;
	v28 =	vshll.u32 v43, $0x7;
	v46 =	vor.u32 v0, v21  }
0xd6: {  	v47 =	vor.u32 v22, v26;
	v48 =	vor.u32 v0, v28;
	v44 =	vld.idx.msk [tilespmem:v44+s3+$0x0], $0xffff  }
0xd7: {  	v59 =	vor.u32 v22, v43;
	_ =	sdelay $0x2  }
0xd8: {  	[tilespmem:v46+s15+$0x0] =	vst.idx.msk $0xffff, v45  }
0xd9: {  	v60 =	vor.u32 v1, v21;
	v45 =	vld.idx.msk [tilespmem:v47+s3+$0x0], $0xffff;
	[tilespmem:v48+s15+$0x0] =	vst.idx.msk $0xffff, v44  }
0xda: {  	v61 =	vor.u32 v24, v26;
	v62 =	vor.u32 v1, v28;
	v22 =	vld.idx.msk [tilespmem:v59+s3+$0x0], $0xffff  }
0xdb: {  	v63 =	vor.u32 v24, v43;
	_ =	sdelay $0x1  }
0xdc: {  	[tilespmem:v41+s15+$0x0] =	vst.idx.msk $0xffff, v39;
	v48 =	vld.idx.msk [tilespmem:v40+s3+$0x0], $0xffff  }
0xdd: {  	v49 =	vor.u32 v25, v12;
	v50 =	vor.u32 v2, v16;
	v41 =	vld.idx.msk [tilespmem:v42+s3+$0x0], $0xffff;
	[tilespmem:v60+s15+$0x0] =	vst.idx.msk $0xffff, v45  }
0xde: {  	v51 =	vor.u32 v25, v15;
	v52 =	vor.u32 v2, v21;
	v44 =	vld.idx.msk [tilespmem:v61+s3+$0x0], $0xffff;
	[tilespmem:v62+s15+$0x0] =	vst.idx.msk $0xffff, v22  }
0xdf: {  	[tilespmem:v38+s15+$0x0] =	vst.idx.msk $0xffff, v34;
	v53 =	vor.u32 v25, v26;
	v54 =	vor.u32 v2, v28;
	v24 =	vld.idx.msk [tilespmem:v63+s3+$0x0], $0xffff  }
0xe0: {  	[tilespmem:v36+s15+$0x0] =	vst.idx.msk $0xffff, v33;
	v55 =	vor.u32 v25, v43  }
0xe1: {  	v56 =	vor.u32 v4, v8;
	[tilespmem:v37+s15+$0x0] =	vst.idx.msk $0xffff, v48  }
0xe2: {  	v58 =	vor.u32 v3, v14;
	[tilespmem:v50+s15+$0x0] =	vst.idx.msk $0xffff, v41;
	v57 =	vld.idx.msk [tilespmem:v49+s3+$0x0], $0xffff  }
0xe3: {  	v59 =	vor.u32 v23, v12;
	v60 =	vor.u32 v3, v16;
	v22 =	vld.idx.msk [tilespmem:v51+s3+$0x0], $0xffff;
	[tilespmem:v52+s15+$0x0] =	vst.idx.msk $0xffff, v44  }
0xe4: {  	v61 =	vor.u32 v23, v15;
	v62 =	vor.u32 v3, v21;
	v34 =	vld.idx.msk [tilespmem:v53+s3+$0x0], $0xffff;
	[tilespmem:v54+s15+$0x0] =	vst.idx.msk $0xffff, v24  }
0xe5: {  	[tilespmem:v35+s15+$0x0] =	vst.idx.msk $0xffff, v31;
	v42 =	vor.u32 v3, v28;
	v63 =	vor.u32 v23, v26;
	v25 =	vld.idx.msk [tilespmem:v55+s3+$0x0], $0xffff  }
0xe6: {  	v13 =	vor.u32 v7, v13;
	v29 =	vld.idx.msk [tilespmem:v29+s3+$0x0], $0xffff;
	[tilespmem:v56+s15+$0x0] =	vst.idx.msk $0xffff, v32;
	v44 =	vor.u32 v23, v43  }
0xe7: {  	v18 =	vor.u32 v7, v18;
	v30 =	vld.idx.msk [tilespmem:v30+s3+$0x0], $0xffff;
	v45 =	vor.u32 v20, v9;
	[tilespmem:v58+s15+$0x0] =	vst.idx.msk $0xffff, v57  }
0xe8: {  	v47 =	vor.u32 v4, v14;
	[tilespmem:v60+s15+$0x0] =	vst.idx.msk $0xffff, v22;
	v46 =	vld.idx.msk [tilespmem:v59+s3+$0x0], $0xffff  }
0xe9: {  	v50 =	vor.u32 v4, v16;
	v48 =	vor.u32 v20, v12;
	v49 =	vld.idx.msk [tilespmem:v61+s3+$0x0], $0xffff;
	[tilespmem:v62+s15+$0x0] =	vst.idx.msk $0xffff, v34  }
0xea: {  	v51 =	vor.u32 v20, v15;
	v52 =	vor.u32 v4, v21;
	v31 =	vld.idx.msk [tilespmem:v63+s3+$0x0], $0xffff;
	[tilespmem:v42+s15+$0x0] =	vst.idx.msk $0xffff, v25  }
0xeb: {  	[tilespmem:v13+s15+$0x0] =	vst.idx.msk $0xffff, v29;
	v53 =	vor.u32 v20, v26;
	v54 =	vor.u32 v4, v28;
	v23 =	vld.idx.msk [tilespmem:v44+s3+$0x0], $0xffff  }
0xec: {  	v56 =	vor.u32 v20, v43;
	[tilespmem:v18+s15+$0x0] =	vst.idx.msk $0xffff, v30;
	v58 =	vld.idx.msk [tilespmem:v45+s3+$0x0], $0xffff;
	v59 =	vor.u32 v5, v8  }
0xed: {  	v27 =	vld.idx.msk [tilespmem:v27+s3+$0x0], $0xffff;
	v60 =	vor.u32 v17, v9;
	v55 =	vor.u32 v5, v11;
	[tilespmem:v47+s15+$0x0] =	vst.idx.msk $0xffff, v46  }
0xee: {  	v57 =	vor.u32 v17, v10;
	v61 =	vor.u32 v5, v14;
	[tilespmem:v50+s15+$0x0] =	vst.idx.msk $0xffff, v49;
	v33 =	vld.idx.msk [tilespmem:v48+s3+$0x0], $0xffff  }
0xef: {  	v62 =	vor.u32 v17, v12;
	v63 =	vor.u32 v5, v16;
	v24 =	vld.idx.msk [tilespmem:v51+s3+$0x0], $0xffff;
	[tilespmem:v52+s15+$0x0] =	vst.idx.msk $0xffff, v31  }
0xf0: {  	v38 =	vor.u32 v17, v15;
	v39 =	vor.u32 v5, v21;
	v13 =	vld.idx.msk [tilespmem:v53+s3+$0x0], $0xffff;
	[tilespmem:v54+s15+$0x0] =	vst.idx.msk $0xffff, v23  }
0xf1: {  	v41 =	vor.u32 v5, v28;
	v40 =	vor.u32 v17, v26;
	[tilespmem:v59+s15+$0x0] =	vst.idx.msk $0xffff, v58;
	v18 =	vld.idx.msk [tilespmem:v56+s3+$0x0], $0xffff  }
0xf2: {  	v46 =	vor.u32 v6, v8;
	[tilespmem:v55+s15+$0x0] =	vst.idx.msk $0xffff, v27;
	v22 =	vld.idx.msk [tilespmem:v60+s3+$0x0], $0xffff;
	v44 =	vor.u32 v17, v43  }
0xf3: {  	v47 =	vor.u32 v19, v9;
	v42 =	vor.u32 v6, v11;
	v20 =	vld.idx.msk [tilespmem:v57+s3+$0x0], $0xffff;
	[tilespmem:v61+s15+$0x0] =	vst.idx.msk $0xffff, v33  }
0xf4: {  	v45 =	vor.u32 v19, v10;
	v49 =	vor.u32 v6, v14;
	[tilespmem:v63+s15+$0x0] =	vst.idx.msk $0xffff, v24;
	v48 =	vld.idx.msk [tilespmem:v62+s3+$0x0], $0xffff  }
0xf5: {  	v50 =	vor.u32 v19, v12;
	v51 =	vor.u32 v6, v16;
	v25 =	vld.idx.msk [tilespmem:v38+s3+$0x0], $0xffff;
	[tilespmem:v39+s15+$0x0] =	vst.idx.msk $0xffff, v13  }
0xf6: {  	v52 =	vor.u32 v19, v15;
	v54 =	vor.u32 v6, v21;
	v53 =	vld.idx.msk [tilespmem:v40+s3+$0x0], $0xffff;
	[tilespmem:v41+s15+$0x0] =	vst.idx.msk $0xffff, v18  }
0xf7: {  	v55 =	vor.u32 v19, v26;
	[tilespmem:v46+s15+$0x0] =	vst.idx.msk $0xffff, v22;
	v56 =	vor.u32 v6, v28;
	v17 =	vld.idx.msk [tilespmem:v44+s3+$0x0], $0xffff  }
0xf8: {  	v58 =	vor.u32 v19, v43;
	v8 =	vor.u32 v7, v8;
	[tilespmem:v42+s15+$0x0] =	vst.idx.msk $0xffff, v20;
	v9 =	vld.idx.msk [tilespmem:v47+s3+$0x0], $0xffff  }
0xf9: {  	v57 =	vor.u32 v7, v11;
	v10 =	vld.idx.msk [tilespmem:v45+s3+$0x0], $0xffff;
	[tilespmem:v49+s15+$0x0] =	vst.idx.msk $0xffff, v48  }
0xfa: {  	v59 =	vor.u32 v7, v14;
	[tilespmem:v51+s15+$0x0] =	vst.idx.msk $0xffff, v25;
	v12 =	vld.idx.msk [tilespmem:v50+s3+$0x0], $0xffff  }
0xfb: {  	v60 =	vor.u32 v7, v16;
	v13 =	vld.idx.msk [tilespmem:v52+s3+$0x0], $0xffff;
	[tilespmem:v54+s15+$0x0] =	vst.idx.msk $0xffff, v53  }
0xfc: {  	v61 =	vor.u32 v7, v21;
	v15 =	vld.idx.msk [tilespmem:v55+s3+$0x0], $0xffff;
	[tilespmem:v56+s15+$0x0] =	vst.idx.msk $0xffff, v17  }
0xfd: {  	v63 =	vor.u32 v7, v28;
	[tilespmem:v8+s15+$0x0] =	vst.idx.msk $0xffff, v9;
	v62 =	vld.idx.msk [tilespmem:v58+s3+$0x0], $0xffff  }
0xfe: {  	[tilespmem:v57+s15+$0x0] =	vst.idx.msk $0xffff, v10  }
0xff: {  	[tilespmem:v59+s15+$0x0] =	vst.idx.msk $0xffff, v12  }
0x100: {  	[tilespmem:v60+s15+$0x0] =	vst.idx.msk $0xffff, v13  }
0x101: {  	[tilespmem:v61+s15+$0x0] =	vst.idx.msk $0xffff, v15  }
0x102: {  	s18 =	simm.s32 $0x0;
	s19 =	simm.s32 $0x0;
	[tilespmem:v63+s15+$0x0] =	vst.idx.msk $0xffff, v62  }
0x103: {  	[hbm4b:s8+s11] =	stream.strided.scatter [tilespmem:s15], [sflag:$0x1], $0x1000, s12, s11, $0x38;
	[tilespmem:$0x9400] =	vst v63  }
.LBB2_6:
0x104: {  	s20 =	sshll.u32 s19, $0x1  }
0x105: {  	_ =	swait.ge [sflag:s16], $0x1000;
	s21 =	sadd.s32 $0x2, s20  }
0x106: {  	[sflag:s16] =	ssyncset.done $0x0;
	s22 =	sshll.u32 s21, $0x7  }
0x107: {  	[sflag:s16] =	ssyncadd.s32 $0xFFFFF000;
	s22 =	sand.u32 $0x3FFFFF00, s22  }
0x108: {  	v8 =	vld [tilespmem:s22+$0x1000];
	_ =	sdelay $0x3  }
0x109: {  	v9 =	vadd.s32 s18, v0;
	s23 =	simm.s32 $0x1  }
0x10a: {  	v26 =	vand.u32 $0x1F, v9;
	v21 =	vshll.u32 v8, $0x5;
	v8 =	vadd.s32 s23, v0  }
0x10b: {  	v9 =	vld [tilespmem:s22+$0x1010];
	v10 =	vor.u32 v21, v26;
	v28 =	vand.u32 $0x1F, v8  }
0x10c: {  	v8 =	vor.u32 v21, v28;
	_ =	sdelay $0x1  }
0x10d: {  	v11 =	vld [tilespmem:s22+$0x1020]  }
0x10e: {  	v13 =	vshll.u32 v26, $0x7;
	v12 =	vld [tilespmem:s22+$0x1030]  }
0x10f: {  	v22 =	vshll.u32 v9, $0x5;
	v18 =	vshll.u32 v28, $0x7;
	v9 =	vld.idx.msk [tilespmem:v10+s3+$0x0], $0xffff;
	v10 =	vor.u32 v0, v13  }
0x110: {  	v15 =	vor.u32 v22, v26;
	v16 =	vor.u32 v0, v18;
	v8 =	vld.idx.msk [tilespmem:v8+s3+$0x0], $0xffff  }
0x111: {  	v14 =	vld [tilespmem:s22+$0x1040];
	v19 =	vor.u32 v22, v28  }
0x112: {  	v17 =	vld [tilespmem:s22+$0x1050]  }
0x113: {  	v27 =	vld [tilespmem:s22+$0x1060]  }
0x114: {  	v29 =	vld [tilespmem:s22+$0x1070];
	[tilespmem:v10+s14+$0x0] =	vst.idx.msk $0xffff, v9  }
0x115: {  	s26 =	simm.s32 $0x2;
	v24 =	vshll.u32 v11, $0x5;
	v11 =	vld.idx.msk [tilespmem:v15+s3+$0x0], $0xffff;
	v15 =	vor.u32 v1, v13;
	[tilespmem:v16+s14+$0x0] =	vst.idx.msk $0xffff, v8  }
0x116: {  	v9 =	vadd.s32 s26, v0;
	v8 =	vor.u32 v24, v26;
	v16 =	vld.idx.msk [tilespmem:v19+s3+$0x0], $0xffff;
	v19 =	vor.u32 v1, v18  }
0x117: {  	s28 =	simm.s32 $0x3;
	v20 =	vor.u32 v24, v28;
	v10 =	vand.u32 $0x1F, v9  }
0x118: {  	v9 =	vadd.s32 s28, v0;
	v23 =	vor.u32 v21, v10  }
0x119: {  	v9 =	vand.u32 $0x1F, v9  }
0x11a: {  	[tilespmem:v15+s14+$0x0] =	vst.idx.msk $0xffff, v11;
	v15 =	vor.u32 v21, v9  }
0x11b: {  	v25 =	vshll.u32 v12, $0x5;
	v12 =	vor.u32 v2, v13;
	v30 =	vld.idx.msk [tilespmem:v8+s3+$0x0], $0xffff;
	[tilespmem:v19+s14+$0x0] =	vst.idx.msk $0xffff, v16  }
0x11c: {  	v11 =	vshll.u32 v10, $0x7;
	v16 =	vor.u32 v25, v26;
	v19 =	vld.idx.msk [tilespmem:v20+s3+$0x0], $0xffff;
	v20 =	vor.u32 v2, v18  }
0x11d: {  	v31 =	vor.u32 v25, v28;
	v32 =	vld.idx.msk [tilespmem:v23+s3+$0x0], $0xffff;
	v33 =	vor.u32 v0, v11  }
0x11e: {  	v34 =	vor.u32 v22, v10;
	v8 =	vshll.u32 v9, $0x7  }
0x11f: {  	v35 =	vor.u32 v0, v8;
	v15 =	vld.idx.msk [tilespmem:v15+s3+$0x0], $0xffff  }
0x120: {  	[tilespmem:v12+s14+$0x0] =	vst.idx.msk $0xffff, v30;
	v12 =	vor.u32 v22, v9  }
0x121: {  	v23 =	vshll.u32 v14, $0x5;
	v14 =	vld.idx.msk [tilespmem:v16+s3+$0x0], $0xffff;
	[tilespmem:v20+s14+$0x0] =	vst.idx.msk $0xffff, v19;
	v16 =	vor.u32 v3, v13  }
0x122: {  	v30 =	vor.u32 v23, v26;
	[tilespmem:v33+s14+$0x0] =	vst.idx.msk $0xffff, v32;
	v19 =	vld.idx.msk [tilespmem:v31+s3+$0x0], $0xffff;
	v31 =	vor.u32 v3, v18  }
0x123: {  	v54 =	vor.u32 v1, v11;
	v33 =	vld.idx.msk [tilespmem:v34+s3+$0x0], $0xffff  }
0x124: {  	s29 =	simm.s32 $0x4;
	v55 =	vor.u32 v24, v10;
	[tilespmem:v35+s14+$0x0] =	vst.idx.msk $0xffff, v15  }
0x125: {  	s30 =	simm.s32 $0x5;
	v53 =	vor.u32 v23, v28;
	v37 =	vor.u32 v1, v8;
	v15 =	vadd.s32 s29, v0;
	v36 =	vld.idx.msk [tilespmem:v12+s3+$0x0], $0xffff  }
0x126: {  	v12 =	vand.u32 $0x1F, v15;
	v15 =	vadd.s32 s30, v0;
	[tilespmem:v16+s14+$0x0] =	vst.idx.msk $0xffff, v14;
	v14 =	vor.u32 v24, v9  }
0x127: {  	v16 =	vor.u32 v21, v12;
	v30 =	vld.idx.msk [tilespmem:v30+s3+$0x0], $0xffff;
	[tilespmem:v31+s14+$0x0] =	vst.idx.msk $0xffff, v19;
	v19 =	vor.u32 v4, v13  }
0x128: {  	v60 =	vor.u32 v5, v13;
	v38 =	vor.u32 v4, v18;
	[tilespmem:v54+s14+$0x0] =	vst.idx.msk $0xffff, v33;
	v15 =	vand.u32 $0x1F, v15  }
0x129: {  	v56 =	vor.u32 v2, v11;
	v20 =	vshll.u32 v17, $0x5;
	v34 =	vld.idx.msk [tilespmem:v55+s3+$0x0], $0xffff;
	v57 =	vor.u32 v21, v15  }
0x12a: {  	v39 =	vor.u32 v2, v8;
	v31 =	vor.u32 v20, v26;
	v32 =	vld.idx.msk [tilespmem:v53+s3+$0x0], $0xffff;
	[tilespmem:v37+s14+$0x0] =	vst.idx.msk $0xffff, v36  }
0x12b: {  	v17 =	vshll.u32 v27, $0x5;
	v27 =	vor.u32 v20, v28;
	v37 =	vld.idx.msk [tilespmem:v14+s3+$0x0], $0xffff;
	v14 =	vshll.u32 v12, $0x7  }
0x12c: {  	v58 =	vor.u32 v25, v10;
	v40 =	vld.idx.msk [tilespmem:v16+s3+$0x0], $0xffff;
	[tilespmem:v19+s14+$0x0] =	vst.idx.msk $0xffff, v30;
	v30 =	vor.u32 v0, v14  }
0x12d: {  	v43 =	vor.u32 v5, v18;
	v41 =	vor.u32 v25, v9;
	v16 =	vshll.u32 v15, $0x7  }
0x12e: {  	v59 =	vor.u32 v22, v12;
	[tilespmem:v56+s14+$0x0] =	vst.idx.msk $0xffff, v34;
	v61 =	vld.idx.msk [tilespmem:v57+s3+$0x0], $0xffff;
	v62 =	vor.u32 v0, v16  }
0x12f: {  	v48 =	vor.u32 v23, v10;
	v45 =	vor.u32 v22, v15;
	v31 =	vld.idx.msk [tilespmem:v31+s3+$0x0], $0xffff;
	[tilespmem:v38+s14+$0x0] =	vst.idx.msk $0xffff, v32  }
0x130: {  	v49 =	vor.u32 v3, v8;
	v42 =	vor.u32 v17, v26;
	v27 =	vld.idx.msk [tilespmem:v27+s3+$0x0], $0xffff;
	[tilespmem:v39+s14+$0x0] =	vst.idx.msk $0xffff, v37  }
0x131: {  	v44 =	vor.u32 v17, v28;
	v46 =	vld.idx.msk [tilespmem:v58+s3+$0x0], $0xffff;
	[tilespmem:v30+s14+$0x0] =	vst.idx.msk $0xffff, v40;
	v30 =	vor.u32 v3, v11  }
0x132: {  	s31 =	simm.s32 $0x6;
	v51 =	vor.u32 v23, v9;
	v35 =	vor.u32 v4, v11;
	v36 =	vor.u32 v6, v18;
	v47 =	vld.idx.msk [tilespmem:v41+s3+$0x0], $0xffff  }
0x133: {  	v63 =	vadd.s32 s31, v0;
	v19 =	vshll.u32 v29, $0x5;
	v50 =	vor.u32 v1, v14;
	[tilespmem:v62+s14+$0x0] =	vst.idx.msk $0xffff, v61;
	v32 =	vld.idx.msk [tilespmem:v59+s3+$0x0], $0xffff  }
0x134: {  	v38 =	vor.u32 v6, v13;
	v40 =	vor.u32 v24, v12;
	[tilespmem:v60+s14+$0x0] =	vst.idx.msk $0xffff, v31;
	v39 =	vld.idx.msk [tilespmem:v45+s3+$0x0], $0xffff  }
0x135: {  	v29 =	vor.u32 v19, v26;
	v26 =	vand.u32 $0x1F, v63;
	v34 =	vld.idx.msk [tilespmem:v42+s3+$0x0], $0xffff;
	[tilespmem:v43+s14+$0x0] =	vst.idx.msk $0xffff, v27  }
0x136: {  	v37 =	vor.u32 v2, v14;
	v41 =	vor.u32 v1, v16;
	v33 =	vld.idx.msk [tilespmem:v44+s3+$0x0], $0xffff;
	[tilespmem:v30+s14+$0x0] =	vst.idx.msk $0xffff, v46  }
0x137: {  	v27 =	vor.u32 v20, v10;
	v30 =	vor.u32 v19, v28;
	[tilespmem:v49+s14+$0x0] =	vst.idx.msk $0xffff, v47;
	v31 =	vld.idx.msk [tilespmem:v48+s3+$0x0], $0xffff  }
0x138: {  	s22 =	simm.s32 $0x8;
	s23 =	simm.s32 $0x7;
	v42 =	vor.u32 v24, v15;
	v28 =	vor.u32 v21, v26;
	[tilespmem:v50+s14+$0x0] =	vst.idx.msk $0xffff, v32;
	v32 =	vld.idx.msk [tilespmem:v51+s3+$0x0], $0xffff  }
.LBB2_7:
0x139: {  	v43 =	vadd.s32 s23, v0;
	v40 =	vld.idx.msk [tilespmem:v40+s3+$0x0], $0xffff;
	v44 =	vor.u32 v4, v8  }
0x13a: {  	p0 =	slt.u32 s22, $0x1E;
	[tilespmem:v38+s14+$0x0] =	vst.idx.msk $0xffff, v34;
	v45 =	vmovc v9;
	v9 =	vmovc v15;
	v46 =	vmov v10;
	v10 =	vmov v12;
	v12 =	vmov v26  }
0x13b: {  	v15 =	vand.u32 $0x1F, v43;
	v26 =	vor.u32 v20, v45;
	v29 =	vld.idx.msk [tilespmem:v29+s3+$0x0], $0xffff;
	[tilespmem:v36+s14+$0x0] =	vst.idx.msk $0xffff, v33  }
0x13c: {  	v34 =	vor.u32 v7, v13;
	v33 =	vor.u32 v21, v15;
	[tilespmem:v41+s14+$0x0] =	vst.idx.msk $0xffff, v39;
	v30 =	vld.idx.msk [tilespmem:v30+s3+$0x0], $0xffff  }
0x13d: {  	v18 =	vor.u32 v7, v18;
	v36 =	vor.u32 v25, v10;
	v39 =	vor.u32 v17, v46;
	v38 =	vld.idx.msk [tilespmem:v42+s3+$0x0], $0xffff  }
0x13e: {  	v13 =	vmov v11;
	v41 =	vshll.u32 v12, $0x7;
	v42 =	vor.u32 v2, v16;
	v28 =	vld.idx.msk [tilespmem:v28+s3+$0x0], $0xffff;
	[tilespmem:v35+s14+$0x0] =	vst.idx.msk $0xffff, v31  }
0x13f: {  	v31 =	vor.u32 v0, v41;
	v35 =	vor.u32 v25, v9;
	v27 =	vld.idx.msk [tilespmem:v27+s3+$0x0], $0xffff;
	[tilespmem:v44+s14+$0x0] =	vst.idx.msk $0xffff, v32  }
0x140: {  	v32 =	vor.u32 v22, v12;
	[tilespmem:v37+s14+$0x0] =	vst.idx.msk $0xffff, v40;
	v37 =	vor.u32 v5, v13;
	v26 =	vld.idx.msk [tilespmem:v26+s3+$0x0], $0xffff  }
0x141: {  	v11 =	vmov v14;
	v43 =	vor.u32 v5, v8;
	v40 =	vshll.u32 v15, $0x7;
	v33 =	vld.idx.msk [tilespmem:v33+s3+$0x0], $0xffff;
	[tilespmem:v34+s14+$0x0] =	vst.idx.msk $0xffff, v29  }
0x142: {  	v14 =	vmov v41;
	v44 =	vor.u32 v17, v45;
	v29 =	vor.u32 v0, v40;
	[tilespmem:v18+s14+$0x0] =	vst.idx.msk $0xffff, v30  }
0x143: {  	v30 =	vor.u32 v22, v15;
	v18 =	vmov v8;
	v8 =	vmov v16;
	v47 =	vld.idx.msk [tilespmem:v36+s3+$0x0], $0xffff;
	[tilespmem:v42+s14+$0x0] =	vst.idx.msk $0xffff, v38  }
0x144: {  	v41 =	vadd.s32 s22, v0;
	v16 =	vmov v40;
	[tilespmem:v31+s14+$0x0] =	vst.idx.msk $0xffff, v28;
	v28 =	vor.u32 v3, v11;
	v35 =	vld.idx.msk [tilespmem:v35+s3+$0x0], $0xffff  }
0x145: {  	v48 =	vor.u32 v3, v8;
	v31 =	vor.u32 v23, v10;
	v32 =	vld.idx.msk [tilespmem:v32+s3+$0x0], $0xffff;
	[tilespmem:v37+s14+$0x0] =	vst.idx.msk $0xffff, v27  }
0x146: {  	v49 =	vor.u32 v23, v9;
	v37 =	vor.u32 v1, v14;
	v34 =	vld.idx.msk [tilespmem:v39+s3+$0x0], $0xffff;
	[tilespmem:v43+s14+$0x0] =	vst.idx.msk $0xffff, v26  }
.Ltmp2:
0x147: {  	v40 =	vor.u32 v24, v12;
	v38 =	vor.u32 v6, v13;
	[tilespmem:v29+s14+$0x0] =	vst.idx.msk $0xffff, v33;
	v33 =	vld.idx.msk [tilespmem:v44+s3+$0x0], $0xffff;
	(pc) =	sbr.rel @p0 .LBB2_7-.Ltmp2, $4  }
0x148: {  	v36 =	vor.u32 v6, v18;
	v27 =	vor.u32 v20, v10;
	v29 =	vor.u32 v19, v46;
	v39 =	vld.idx.msk [tilespmem:v30+s3+$0x0], $0xffff  }
0x149: {  	v26 =	vand.u32 $0x1F, v41;
	v41 =	vor.u32 v1, v16;
	v30 =	vor.u32 v19, v45;
	[tilespmem:v28+s14+$0x0] =	vst.idx.msk $0xffff, v47  }
0x14a: {  	v42 =	vor.u32 v24, v15;
	v28 =	vor.u32 v21, v26;
	v31 =	vld.idx.msk [tilespmem:v31+s3+$0x0], $0xffff;
	[tilespmem:v48+s14+$0x0] =	vst.idx.msk $0xffff, v35  }
0x14b: {  	s23 =	sadd.s32 $0x1, s22;
	s22 =	sadd.s32 $0x2, s22;
	v35 =	vor.u32 v4, v11;
	[tilespmem:v37+s14+$0x0] =	vst.idx.msk $0xffff, v32;
	v37 =	vor.u32 v2, v14;
	v32 =	vld.idx.msk [tilespmem:v49+s3+$0x0], $0xffff  }
0x14c: {  	v43 =	vadd.s32 s23, v0  }
0x14d: {  	v43 =	vand.u32 $0x1F, v43  }
0x14e: {  	v44 =	vor.u32 v21, v43;
	_ =	sdelay $0x2  }
0x14f: {  	v21 =	vshll.u32 v26, $0x7  }
0x150: {  	v45 =	vld.idx.msk [tilespmem:v28+s3+$0x0], $0xffff;
	v28 =	vshll.u32 v43, $0x7;
	v46 =	vor.u32 v0, v21  }
0x151: {  	v47 =	vor.u32 v22, v26;
	v48 =	vor.u32 v0, v28;
	v44 =	vld.idx.msk [tilespmem:v44+s3+$0x0], $0xffff  }
0x152: {  	v22 =	vor.u32 v22, v43;
	_ =	sdelay $0x2  }
0x153: {  	[tilespmem:v46+s14+$0x0] =	vst.idx.msk $0xffff, v45  }
0x154: {  	v54 =	vor.u32 v1, v21;
	v45 =	vld.idx.msk [tilespmem:v47+s3+$0x0], $0xffff;
	[tilespmem:v48+s14+$0x0] =	vst.idx.msk $0xffff, v44  }
0x155: {  	v55 =	vor.u32 v24, v26;
	v56 =	vor.u32 v1, v28;
	v22 =	vld.idx.msk [tilespmem:v22+s3+$0x0], $0xffff  }
0x156: {  	v24 =	vor.u32 v24, v43;
	_ =	sdelay $0x1  }
0x157: {  	v57 =	vld.idx.msk [tilespmem:v40+s3+$0x0], $0xffff;
	[tilespmem:v41+s14+$0x0] =	vst.idx.msk $0xffff, v39  }
0x158: {  	v58 =	vor.u32 v25, v12;
	v59 =	vor.u32 v2, v16;
	v41 =	vld.idx.msk [tilespmem:v42+s3+$0x0], $0xffff;
	[tilespmem:v54+s14+$0x0] =	vst.idx.msk $0xffff, v45  }
0x159: {  	v60 =	vor.u32 v2, v21;
	v44 =	vld.idx.msk [tilespmem:v55+s3+$0x0], $0xffff;
	[tilespmem:v56+s14+$0x0] =	vst.idx.msk $0xffff, v22;
	v22 =	vor.u32 v25, v15  }
0x15a: {  	[tilespmem:v38+s14+$0x0] =	vst.idx.msk $0xffff, v34;
	v61 =	vor.u32 v25, v26;
	v62 =	vor.u32 v2, v28;
	v24 =	vld.idx.msk [tilespmem:v24+s3+$0x0], $0xffff  }
0x15b: {  	[tilespmem:v36+s14+$0x0] =	vst.idx.msk $0xffff, v33;
	v25 =	vor.u32 v25, v43  }
0x15c: {  	v63 =	vor.u32 v4, v8;
	[tilespmem:v37+s14+$0x0] =	vst.idx.msk $0xffff, v57  }
0x15d: {  	[tilespmem:v59+s14+$0x0] =	vst.idx.msk $0xffff, v41;
	v46 =	vld.idx.msk [tilespmem:v58+s3+$0x0], $0xffff;
	v47 =	vor.u32 v3, v14  }
0x15e: {  	v49 =	vor.u32 v3, v16;
	v48 =	vor.u32 v23, v12;
	[tilespmem:v60+s14+$0x0] =	vst.idx.msk $0xffff, v44;
	v22 =	vld.idx.msk [tilespmem:v22+s3+$0x0], $0xffff  }
0x15f: {  	v50 =	vor.u32 v23, v15;
	v34 =	vld.idx.msk [tilespmem:v61+s3+$0x0], $0xffff;
	[tilespmem:v62+s14+$0x0] =	vst.idx.msk $0xffff, v24;
	v24 =	vor.u32 v3, v21  }
0x160: {  	[tilespmem:v35+s14+$0x0] =	vst.idx.msk $0xffff, v31;
	v31 =	vor.u32 v23, v26;
	v51 =	vor.u32 v3, v28;
	v25 =	vld.idx.msk [tilespmem:v25+s3+$0x0], $0xffff  }
0x161: {  	v13 =	vor.u32 v7, v13;
	v29 =	vld.idx.msk [tilespmem:v29+s3+$0x0], $0xffff;
	[tilespmem:v63+s14+$0x0] =	vst.idx.msk $0xffff, v32;
	v23 =	vor.u32 v23, v43  }
0x162: {  	v18 =	vor.u32 v7, v18;
	v30 =	vld.idx.msk [tilespmem:v30+s3+$0x0], $0xffff;
	[tilespmem:v47+s14+$0x0] =	vst.idx.msk $0xffff, v46  }
0x163: {  	v52 =	vor.u32 v20, v9;
	v53 =	vld.idx.msk [tilespmem:v48+s3+$0x0], $0xffff;
	[tilespmem:v49+s14+$0x0] =	vst.idx.msk $0xffff, v22;
	v22 =	vor.u32 v4, v14  }
0x164: {  	v54 =	vor.u32 v20, v12;
	v56 =	vor.u32 v4, v16;
	v55 =	vld.idx.msk [tilespmem:v50+s3+$0x0], $0xffff;
	[tilespmem:v24+s14+$0x0] =	vst.idx.msk $0xffff, v34  }
0x165: {  	v24 =	vor.u32 v20, v15;
	v31 =	vld.idx.msk [tilespmem:v31+s3+$0x0], $0xffff;
	[tilespmem:v51+s14+$0x0] =	vst.idx.msk $0xffff, v25;
	v25 =	vor.u32 v4, v21  }
0x166: {  	[tilespmem:v13+s14+$0x0] =	vst.idx.msk $0xffff, v29;
	v13 =	vor.u32 v20, v26;
	v29 =	vor.u32 v4, v28;
	v23 =	vld.idx.msk [tilespmem:v23+s3+$0x0], $0xffff  }
0x167: {  	v27 =	vld.idx.msk [tilespmem:v27+s3+$0x0], $0xffff;
	v57 =	vor.u32 v5, v11;
	[tilespmem:v18+s14+$0x0] =	vst.idx.msk $0xffff, v30;
	v18 =	vor.u32 v20, v43  }
0x168: {  	v30 =	vld.idx.msk [tilespmem:v52+s3+$0x0], $0xffff;
	v58 =	vor.u32 v5, v8;
	v20 =	vor.u32 v17, v10;
	[tilespmem:v22+s14+$0x0] =	vst.idx.msk $0xffff, v53  }
0x169: {  	v59 =	vor.u32 v5, v14;
	v22 =	vor.u32 v17, v9;
	v33 =	vld.idx.msk [tilespmem:v54+s3+$0x0], $0xffff;
	[tilespmem:v56+s14+$0x0] =	vst.idx.msk $0xffff, v55  }
0x16a: {  	v60 =	vor.u32 v17, v12;
	v61 =	vor.u32 v5, v16;
	v24 =	vld.idx.msk [tilespmem:v24+s3+$0x0], $0xffff;
	[tilespmem:v25+s14+$0x0] =	vst.idx.msk $0xffff, v31  }
0x16b: {  	v25 =	vor.u32 v17, v15;
	v13 =	vld.idx.msk [tilespmem:v13+s3+$0x0], $0xffff;
	[tilespmem:v29+s14+$0x0] =	vst.idx.msk $0xffff, v23;
	v23 =	vor.u32 v5, v21  }
0x16c: {  	[tilespmem:v57+s14+$0x0] =	vst.idx.msk $0xffff, v27;
	v27 =	vor.u32 v17, v26;
	v29 =	vor.u32 v5, v28;
	v18 =	vld.idx.msk [tilespmem:v18+s3+$0x0], $0xffff  }
0x16d: {  	[tilespmem:v58+s14+$0x0] =	vst.idx.msk $0xffff, v30;
	v30 =	vor.u32 v6, v11;
	v20 =	vld.idx.msk [tilespmem:v20+s3+$0x0], $0xffff;
	v17 =	vor.u32 v17, v43  }
0x16e: {  	v10 =	vor.u32 v19, v10;
	v31 =	vor.u32 v6, v8;
	v22 =	vld.idx.msk [tilespmem:v22+s3+$0x0], $0xffff;
	[tilespmem:v59+s14+$0x0] =	vst.idx.msk $0xffff, v33  }
0x16f: {  	v9 =	vor.u32 v19, v9;
	v62 =	vld.idx.msk [tilespmem:v60+s3+$0x0], $0xffff;
	[tilespmem:v61+s14+$0x0] =	vst.idx.msk $0xffff, v24;
	v24 =	vor.u32 v6, v14  }
0x170: {  	v63 =	vor.u32 v6, v16;
	v12 =	vor.u32 v19, v12;
	v25 =	vld.idx.msk [tilespmem:v25+s3+$0x0], $0xffff;
	[tilespmem:v23+s14+$0x0] =	vst.idx.msk $0xffff, v13  }
0x171: {  	v13 =	vor.u32 v19, v15;
	v15 =	vld.idx.msk [tilespmem:v27+s3+$0x0], $0xffff;
	[tilespmem:v29+s14+$0x0] =	vst.idx.msk $0xffff, v18;
	v18 =	vor.u32 v6, v21  }
0x172: {  	[tilespmem:v30+s14+$0x0] =	vst.idx.msk $0xffff, v20;
	v20 =	vor.u32 v19, v26;
	v23 =	vor.u32 v6, v28;
	v17 =	vld.idx.msk [tilespmem:v17+s3+$0x0], $0xffff  }
0x173: {  	v11 =	vor.u32 v7, v11;
	v10 =	vld.idx.msk [tilespmem:v10+s3+$0x0], $0xffff;
	v19 =	vor.u32 v19, v43;
	[tilespmem:v31+s14+$0x0] =	vst.idx.msk $0xffff, v22  }
0x174: {  	v8 =	vor.u32 v7, v8;
	v9 =	vld.idx.msk [tilespmem:v9+s3+$0x0], $0xffff;
	[tilespmem:v24+s14+$0x0] =	vst.idx.msk $0xffff, v62  }
0x175: {  	v14 =	vor.u32 v7, v14;
	v12 =	vld.idx.msk [tilespmem:v12+s3+$0x0], $0xffff;
	[tilespmem:v63+s14+$0x0] =	vst.idx.msk $0xffff, v25  }
0x176: {  	v16 =	vor.u32 v7, v16;
	v13 =	vld.idx.msk [tilespmem:v13+s3+$0x0], $0xffff;
	[tilespmem:v18+s14+$0x0] =	vst.idx.msk $0xffff, v15  }
0x177: {  	v15 =	vld.idx.msk [tilespmem:v20+s3+$0x0], $0xffff;
	[tilespmem:v23+s14+$0x0] =	vst.idx.msk $0xffff, v17;
	v17 =	vor.u32 v7, v21  }
0x178: {  	[tilespmem:v11+s14+$0x0] =	vst.idx.msk $0xffff, v10;
	v11 =	vor.u32 v7, v28;
	v10 =	vld.idx.msk [tilespmem:v19+s3+$0x0], $0xffff  }
0x179: {  	[tilespmem:v8+s14+$0x0] =	vst.idx.msk $0xffff, v9  }
0x17a: {  	s21 =	sshll.u32 s21, $0x11;
	[tilespmem:v14+s14+$0x0] =	vst.idx.msk $0xffff, v12  }
0x17b: {  	s21 =	sor.u32 s4, s21;
	[tilespmem:v16+s14+$0x0] =	vst.idx.msk $0xffff, v13  }
0x17c: {  	s21 =	sshrl.u32 s21, $0x3;
	[tilespmem:v17+s14+$0x0] =	vst.idx.msk $0xffff, v15  }
0x17d: {  	s21 =	sadd.s32 s2, s21;
	[tilespmem:v11+s14+$0x0] =	vst.idx.msk $0xffff, v10  }
0x17e: {  	[hbm4b:s21+s11] =	stream.strided.scatter [tilespmem:s14], [sflag:$0x1], $0x1000, s12, s11, $0x38;
	[tilespmem:$0x9400] =	vst v63  }
0x17f: {  	s20 =	sadd.s32 $0x3, s20;
	_ =	swait.ge [sflag:s16], $0x1000  }
0x180: {  	s24 =	sshll.u32 s20, $0x7;
	[sflag:s16] =	ssyncset.done $0x0  }
0x181: {  	s21 =	sand.u32 $0x3FFFFF80, s24;
	[sflag:s16] =	ssyncadd.s32 $0xFFFFF000  }
0x182: {  	v8 =	vld [tilespmem:s21+$0x1000];
	_ =	sdelay $0x2  }
0x183: {  	s22 =	simm.s32 $0x0  }
0x184: {  	s25 =	simm.s32 $0x1;
	v9 =	vadd.s32 s22, v0  }
0x185: {  	v26 =	vand.u32 $0x1F, v9;
	v21 =	vshll.u32 v8, $0x5;
	v8 =	vadd.s32 s25, v0  }
0x186: {  	v9 =	vld [tilespmem:s21+$0x1010];
	v10 =	vor.u32 v21, v26;
	v28 =	vand.u32 $0x1F, v8  }
0x187: {  	v8 =	vor.u32 v21, v28;
	_ =	sdelay $0x1  }
0x188: {  	v11 =	vld [tilespmem:s21+$0x1020]  }
0x189: {  	v13 =	vshll.u32 v26, $0x7;
	v12 =	vld [tilespmem:s21+$0x1030]  }
0x18a: {  	v22 =	vshll.u32 v9, $0x5;
	v18 =	vshll.u32 v28, $0x7;
	v9 =	vld.idx.msk [tilespmem:v10+s3+$0x0], $0xffff;
	v10 =	vor.u32 v0, v13  }
0x18b: {  	v15 =	vor.u32 v22, v26;
	v16 =	vor.u32 v0, v18;
	v8 =	vld.idx.msk [tilespmem:v8+s3+$0x0], $0xffff  }
0x18c: {  	v14 =	vld [tilespmem:s21+$0x1040];
	v19 =	vor.u32 v22, v28  }
0x18d: {  	v17 =	vld [tilespmem:s21+$0x1050]  }
0x18e: {  	v27 =	vld [tilespmem:s21+$0x1060]  }
0x18f: {  	v29 =	vld [tilespmem:s21+$0x1070];
	[tilespmem:v10+s15+$0x0] =	vst.idx.msk $0xffff, v9  }
0x190: {  	s26 =	simm.s32 $0x2;
	v24 =	vshll.u32 v11, $0x5;
	v11 =	vld.idx.msk [tilespmem:v15+s3+$0x0], $0xffff;
	v15 =	vor.u32 v1, v13;
	[tilespmem:v16+s15+$0x0] =	vst.idx.msk $0xffff, v8  }
0x191: {  	v9 =	vadd.s32 s26, v0;
	v8 =	vor.u32 v24, v26;
	v16 =	vld.idx.msk [tilespmem:v19+s3+$0x0], $0xffff;
	v19 =	vor.u32 v1, v18  }
0x192: {  	s28 =	simm.s32 $0x3;
	v20 =	vor.u32 v24, v28;
	v10 =	vand.u32 $0x1F, v9  }
0x193: {  	v9 =	vadd.s32 s28, v0;
	v23 =	vor.u32 v21, v10  }
0x194: {  	v9 =	vand.u32 $0x1F, v9  }
0x195: {  	[tilespmem:v15+s15+$0x0] =	vst.idx.msk $0xffff, v11;
	v15 =	vor.u32 v21, v9  }
0x196: {  	v25 =	vshll.u32 v12, $0x5;
	v12 =	vor.u32 v2, v13;
	v30 =	vld.idx.msk [tilespmem:v8+s3+$0x0], $0xffff;
	[tilespmem:v19+s15+$0x0] =	vst.idx.msk $0xffff, v16  }
0x197: {  	v11 =	vshll.u32 v10, $0x7;
	v16 =	vor.u32 v25, v26;
	v19 =	vld.idx.msk [tilespmem:v20+s3+$0x0], $0xffff;
	v20 =	vor.u32 v2, v18  }
0x198: {  	v31 =	vor.u32 v25, v28;
	v36 =	vld.idx.msk [tilespmem:v23+s3+$0x0], $0xffff;
	v37 =	vor.u32 v0, v11  }
0x199: {  	v38 =	vor.u32 v22, v10;
	v8 =	vshll.u32 v9, $0x7  }
0x19a: {  	v39 =	vor.u32 v0, v8;
	v15 =	vld.idx.msk [tilespmem:v15+s3+$0x0], $0xffff  }
0x19b: {  	[tilespmem:v12+s15+$0x0] =	vst.idx.msk $0xffff, v30;
	v12 =	vor.u32 v22, v9  }
0x19c: {  	v23 =	vshll.u32 v14, $0x5;
	v14 =	vld.idx.msk [tilespmem:v16+s3+$0x0], $0xffff;
	[tilespmem:v20+s15+$0x0] =	vst.idx.msk $0xffff, v19;
	v16 =	vor.u32 v3, v13  }
0x19d: {  	v30 =	vor.u32 v23, v26;
	[tilespmem:v37+s15+$0x0] =	vst.idx.msk $0xffff, v36;
	v19 =	vld.idx.msk [tilespmem:v31+s3+$0x0], $0xffff;
	v31 =	vor.u32 v3, v18  }
0x19e: {  	v41 =	vor.u32 v1, v11;
	v33 =	vld.idx.msk [tilespmem:v38+s3+$0x0], $0xffff  }
0x19f: {  	s29 =	simm.s32 $0x4;
	v42 =	vor.u32 v24, v10;
	[tilespmem:v39+s15+$0x0] =	vst.idx.msk $0xffff, v15  }
0x1a0: {  	s30 =	simm.s32 $0x5;
	v40 =	vor.u32 v23, v28;
	v44 =	vor.u32 v1, v8;
	v15 =	vadd.s32 s29, v0;
	v43 =	vld.idx.msk [tilespmem:v12+s3+$0x0], $0xffff  }
0x1a1: {  	v12 =	vand.u32 $0x1F, v15;
	v15 =	vadd.s32 s30, v0;
	[tilespmem:v16+s15+$0x0] =	vst.idx.msk $0xffff, v14;
	v14 =	vor.u32 v24, v9  }
0x1a2: {  	v16 =	vor.u32 v21, v12;
	v30 =	vld.idx.msk [tilespmem:v30+s3+$0x0], $0xffff;
	[tilespmem:v31+s15+$0x0] =	vst.idx.msk $0xffff, v19;
	v19 =	vor.u32 v4, v13  }
0x1a3: {  	v53 =	vor.u32 v5, v13;
	v45 =	vor.u32 v4, v18;
	[tilespmem:v41+s15+$0x0] =	vst.idx.msk $0xffff, v33;
	v15 =	vand.u32 $0x1F, v15  }
0x1a4: {  	v46 =	vor.u32 v2, v11;
	v20 =	vshll.u32 v17, $0x5;
	v34 =	vld.idx.msk [tilespmem:v42+s3+$0x0], $0xffff;
	v47 =	vor.u32 v21, v15  }
0x1a5: {  	v49 =	vor.u32 v2, v8;
	v31 =	vor.u32 v20, v26;
	v32 =	vld.idx.msk [tilespmem:v40+s3+$0x0], $0xffff;
	[tilespmem:v44+s15+$0x0] =	vst.idx.msk $0xffff, v43  }
0x1a6: {  	v17 =	vshll.u32 v27, $0x5;
	v27 =	vor.u32 v20, v28;
	v37 =	vld.idx.msk [tilespmem:v14+s3+$0x0], $0xffff;
	v14 =	vshll.u32 v12, $0x7  }
0x1a7: {  	v48 =	vor.u32 v25, v10;
	v50 =	vld.idx.msk [tilespmem:v16+s3+$0x0], $0xffff;
	[tilespmem:v19+s15+$0x0] =	vst.idx.msk $0xffff, v30;
	v30 =	vor.u32 v0, v14  }
0x1a8: {  	v55 =	vor.u32 v5, v18;
	v51 =	vor.u32 v25, v9;
	v16 =	vshll.u32 v15, $0x7  }
0x1a9: {  	v52 =	vor.u32 v22, v12;
	[tilespmem:v46+s15+$0x0] =	vst.idx.msk $0xffff, v34;
	v56 =	vld.idx.msk [tilespmem:v47+s3+$0x0], $0xffff;
	v57 =	vor.u32 v0, v16  }
0x1aa: {  	v35 =	vor.u32 v4, v11;
	v59 =	vor.u32 v22, v15;
	v31 =	vld.idx.msk [tilespmem:v31+s3+$0x0], $0xffff;
	[tilespmem:v45+s15+$0x0] =	vst.idx.msk $0xffff, v32  }
0x1ab: {  	v63 =	vor.u32 v23, v10;
	v54 =	vor.u32 v17, v26;
	v27 =	vld.idx.msk [tilespmem:v27+s3+$0x0], $0xffff;
	[tilespmem:v49+s15+$0x0] =	vst.idx.msk $0xffff, v37  }
0x1ac: {  	v58 =	vor.u32 v17, v28;
	v60 =	vld.idx.msk [tilespmem:v48+s3+$0x0], $0xffff;
	[tilespmem:v30+s15+$0x0] =	vst.idx.msk $0xffff, v50;
	v30 =	vor.u32 v3, v11  }
0x1ad: {  	v36 =	vor.u32 v6, v18;
	v38 =	vor.u32 v6, v13;
	v49 =	vor.u32 v3, v8;
	v62 =	vld.idx.msk [tilespmem:v51+s3+$0x0], $0xffff  }
0x1ae: {  	v50 =	vor.u32 v1, v14;
	v51 =	vor.u32 v23, v9;
	[tilespmem:v57+s15+$0x0] =	vst.idx.msk $0xffff, v56;
	v32 =	vld.idx.msk [tilespmem:v52+s3+$0x0], $0xffff  }
0x1af: {  	s31 =	simm.s32 $0x6;
	v42 =	vor.u32 v24, v15;
	v40 =	vor.u32 v24, v12;
	[tilespmem:v53+s15+$0x0] =	vst.idx.msk $0xffff, v31;
	v39 =	vld.idx.msk [tilespmem:v59+s3+$0x0], $0xffff  }
0x1b0: {  	v61 =	vadd.s32 s31, v0;
	v19 =	vshll.u32 v29, $0x5;
	v41 =	vor.u32 v1, v16;
	v34 =	vld.idx.msk [tilespmem:v54+s3+$0x0], $0xffff;
	[tilespmem:v55+s15+$0x0] =	vst.idx.msk $0xffff, v27  }
0x1b1: {  	v29 =	vor.u32 v19, v26;
	v26 =	vand.u32 $0x1F, v61;
	v33 =	vld.idx.msk [tilespmem:v58+s3+$0x0], $0xffff;
	[tilespmem:v30+s15+$0x0] =	vst.idx.msk $0xffff, v60  }
0x1b2: {  	v37 =	vor.u32 v2, v14;
	v30 =	vor.u32 v19, v28;
	[tilespmem:v49+s15+$0x0] =	vst.idx.msk $0xffff, v62;
	v31 =	vld.idx.msk [tilespmem:v63+s3+$0x0], $0xffff  }
0x1b3: {  	s22 =	simm.s32 $0x7;
	s21 =	simm.s32 $0x8;
	v27 =	vor.u32 v20, v10;
	v28 =	vor.u32 v21, v26;
	[tilespmem:v50+s15+$0x0] =	vst.idx.msk $0xffff, v32;
	v32 =	vld.idx.msk [tilespmem:v51+s3+$0x0], $0xffff  }
.LBB2_9:
0x1b4: {  	v43 =	vadd.s32 s22, v0;
	v40 =	vld.idx.msk [tilespmem:v40+s3+$0x0], $0xffff;
	v44 =	vor.u32 v4, v8  }
0x1b5: {  	p0 =	slt.u32 s21, $0x1E;
	[tilespmem:v38+s15+$0x0] =	vst.idx.msk $0xffff, v34;
	v45 =	vmovc v9;
	v9 =	vmovc v15;
	v46 =	vmov v10;
	v10 =	vmov v12;
	v12 =	vmov v26  }
0x1b6: {  	v15 =	vand.u32 $0x1F, v43;
	v26 =	vor.u32 v20, v45;
	v29 =	vld.idx.msk [tilespmem:v29+s3+$0x0], $0xffff;
	[tilespmem:v36+s15+$0x0] =	vst.idx.msk $0xffff, v33  }
0x1b7: {  	v34 =	vor.u32 v7, v13;
	v33 =	vor.u32 v21, v15;
	[tilespmem:v41+s15+$0x0] =	vst.idx.msk $0xffff, v39;
	v30 =	vld.idx.msk [tilespmem:v30+s3+$0x0], $0xffff  }
0x1b8: {  	v18 =	vor.u32 v7, v18;
	v36 =	vor.u32 v25, v10;
	v39 =	vor.u32 v17, v46;
	v38 =	vld.idx.msk [tilespmem:v42+s3+$0x0], $0xffff  }
0x1b9: {  	v13 =	vmov v11;
	v41 =	vshll.u32 v12, $0x7;
	v42 =	vor.u32 v2, v16;
	v28 =	vld.idx.msk [tilespmem:v28+s3+$0x0], $0xffff;
	[tilespmem:v35+s15+$0x0] =	vst.idx.msk $0xffff, v31  }
0x1ba: {  	v31 =	vor.u32 v0, v41;
	v35 =	vor.u32 v25, v9;
	v27 =	vld.idx.msk [tilespmem:v27+s3+$0x0], $0xffff;
	[tilespmem:v44+s15+$0x0] =	vst.idx.msk $0xffff, v32  }
0x1bb: {  	v32 =	vor.u32 v22, v12;
	[tilespmem:v37+s15+$0x0] =	vst.idx.msk $0xffff, v40;
	v37 =	vor.u32 v5, v13;
	v26 =	vld.idx.msk [tilespmem:v26+s3+$0x0], $0xffff  }
0x1bc: {  	v11 =	vmov v14;
	v43 =	vor.u32 v5, v8;
	v40 =	vshll.u32 v15, $0x7;
	v33 =	vld.idx.msk [tilespmem:v33+s3+$0x0], $0xffff;
	[tilespmem:v34+s15+$0x0] =	vst.idx.msk $0xffff, v29  }
0x1bd: {  	v14 =	vmov v41;
	v44 =	vor.u32 v17, v45;
	v29 =	vor.u32 v0, v40;
	[tilespmem:v18+s15+$0x0] =	vst.idx.msk $0xffff, v30  }
0x1be: {  	v30 =	vor.u32 v22, v15;
	v18 =	vmov v8;
	v8 =	vmov v16;
	v47 =	vld.idx.msk [tilespmem:v36+s3+$0x0], $0xffff;
	[tilespmem:v42+s15+$0x0] =	vst.idx.msk $0xffff, v38  }
0x1bf: {  	v41 =	vadd.s32 s21, v0;
	v16 =	vmov v40;
	[tilespmem:v31+s15+$0x0] =	vst.idx.msk $0xffff, v28;
	v28 =	vor.u32 v3, v11;
	v35 =	vld.idx.msk [tilespmem:v35+s3+$0x0], $0xffff  }
0x1c0: {  	v48 =	vor.u32 v3, v8;
	v31 =	vor.u32 v23, v10;
	v32 =	vld.idx.msk [tilespmem:v32+s3+$0x0], $0xffff;
	[tilespmem:v37+s15+$0x0] =	vst.idx.msk $0xffff, v27  }
0x1c1: {  	v49 =	vor.u32 v23, v9;
	v37 =	vor.u32 v1, v14;
	v34 =	vld.idx.msk [tilespmem:v39+s3+$0x0], $0xffff;
	[tilespmem:v43+s15+$0x0] =	vst.idx.msk $0xffff, v26  }
.Ltmp3:
0x1c2: {  	v40 =	vor.u32 v24, v12;
	v38 =	vor.u32 v6, v13;
	[tilespmem:v29+s15+$0x0] =	vst.idx.msk $0xffff, v33;
	v33 =	vld.idx.msk [tilespmem:v44+s3+$0x0], $0xffff;
	(pc) =	sbr.rel @p0 .LBB2_9-.Ltmp3, $4  }
0x1c3: {  	v36 =	vor.u32 v6, v18;
	v27 =	vor.u32 v20, v10;
	v29 =	vor.u32 v19, v46;
	v39 =	vld.idx.msk [tilespmem:v30+s3+$0x0], $0xffff  }
0x1c4: {  	v26 =	vand.u32 $0x1F, v41;
	v41 =	vor.u32 v1, v16;
	v30 =	vor.u32 v19, v45;
	[tilespmem:v28+s15+$0x0] =	vst.idx.msk $0xffff, v47  }
0x1c5: {  	v42 =	vor.u32 v24, v15;
	v28 =	vor.u32 v21, v26;
	v31 =	vld.idx.msk [tilespmem:v31+s3+$0x0], $0xffff;
	[tilespmem:v48+s15+$0x0] =	vst.idx.msk $0xffff, v35  }
0x1c6: {  	s22 =	sadd.s32 $0x1, s21;
	s21 =	sadd.s32 $0x2, s21;
	v35 =	vor.u32 v4, v11;
	[tilespmem:v37+s15+$0x0] =	vst.idx.msk $0xffff, v32;
	v37 =	vor.u32 v2, v14;
	v32 =	vld.idx.msk [tilespmem:v49+s3+$0x0], $0xffff  }
0x1c7: {  	v43 =	vadd.s32 s22, v0  }
0x1c8: {  	v43 =	vand.u32 $0x1F, v43  }
0x1c9: {  	v44 =	vor.u32 v21, v43;
	_ =	sdelay $0x2  }
0x1ca: {  	v21 =	vshll.u32 v26, $0x7  }
0x1cb: {  	v45 =	vld.idx.msk [tilespmem:v28+s3+$0x0], $0xffff;
	v28 =	vshll.u32 v43, $0x7;
	v46 =	vor.u32 v0, v21  }
0x1cc: {  	v47 =	vor.u32 v22, v26;
	v48 =	vor.u32 v0, v28;
	v44 =	vld.idx.msk [tilespmem:v44+s3+$0x0], $0xffff  }
0x1cd: {  	v59 =	vor.u32 v22, v43;
	_ =	sdelay $0x2  }
0x1ce: {  	[tilespmem:v46+s15+$0x0] =	vst.idx.msk $0xffff, v45  }
0x1cf: {  	v60 =	vor.u32 v1, v21;
	v45 =	vld.idx.msk [tilespmem:v47+s3+$0x0], $0xffff;
	[tilespmem:v48+s15+$0x0] =	vst.idx.msk $0xffff, v44  }
0x1d0: {  	v61 =	vor.u32 v24, v26;
	v62 =	vor.u32 v1, v28;
	v22 =	vld.idx.msk [tilespmem:v59+s3+$0x0], $0xffff  }
0x1d1: {  	v63 =	vor.u32 v24, v43;
	_ =	sdelay $0x1  }
0x1d2: {  	[tilespmem:v41+s15+$0x0] =	vst.idx.msk $0xffff, v39;
	v48 =	vld.idx.msk [tilespmem:v40+s3+$0x0], $0xffff  }
0x1d3: {  	v49 =	vor.u32 v25, v12;
	v50 =	vor.u32 v2, v16;
	v41 =	vld.idx.msk [tilespmem:v42+s3+$0x0], $0xffff;
	[tilespmem:v60+s15+$0x0] =	vst.idx.msk $0xffff, v45  }
0x1d4: {  	v51 =	vor.u32 v25, v15;
	v52 =	vor.u32 v2, v21;
	v44 =	vld.idx.msk [tilespmem:v61+s3+$0x0], $0xffff;
	[tilespmem:v62+s15+$0x0] =	vst.idx.msk $0xffff, v22  }
0x1d5: {  	[tilespmem:v38+s15+$0x0] =	vst.idx.msk $0xffff, v34;
	v53 =	vor.u32 v25, v26;
	v54 =	vor.u32 v2, v28;
	v24 =	vld.idx.msk [tilespmem:v63+s3+$0x0], $0xffff  }
0x1d6: {  	[tilespmem:v36+s15+$0x0] =	vst.idx.msk $0xffff, v33;
	v55 =	vor.u32 v25, v43  }
0x1d7: {  	v56 =	vor.u32 v4, v8;
	[tilespmem:v37+s15+$0x0] =	vst.idx.msk $0xffff, v48  }
0x1d8: {  	v58 =	vor.u32 v3, v14;
	[tilespmem:v50+s15+$0x0] =	vst.idx.msk $0xffff, v41;
	v57 =	vld.idx.msk [tilespmem:v49+s3+$0x0], $0xffff  }
0x1d9: {  	v59 =	vor.u32 v23, v12;
	v60 =	vor.u32 v3, v16;
	v22 =	vld.idx.msk [tilespmem:v51+s3+$0x0], $0xffff;
	[tilespmem:v52+s15+$0x0] =	vst.idx.msk $0xffff, v44  }
0x1da: {  	v61 =	vor.u32 v23, v15;
	v62 =	vor.u32 v3, v21;
	v34 =	vld.idx.msk [tilespmem:v53+s3+$0x0], $0xffff;
	[tilespmem:v54+s15+$0x0] =	vst.idx.msk $0xffff, v24  }
0x1db: {  	[tilespmem:v35+s15+$0x0] =	vst.idx.msk $0xffff, v31;
	v42 =	vor.u32 v3, v28;
	v63 =	vor.u32 v23, v26;
	v25 =	vld.idx.msk [tilespmem:v55+s3+$0x0], $0xffff  }
0x1dc: {  	v13 =	vor.u32 v7, v13;
	v29 =	vld.idx.msk [tilespmem:v29+s3+$0x0], $0xffff;
	[tilespmem:v56+s15+$0x0] =	vst.idx.msk $0xffff, v32;
	v44 =	vor.u32 v23, v43  }
0x1dd: {  	v18 =	vor.u32 v7, v18;
	v30 =	vld.idx.msk [tilespmem:v30+s3+$0x0], $0xffff;
	v45 =	vor.u32 v20, v9;
	[tilespmem:v58+s15+$0x0] =	vst.idx.msk $0xffff, v57  }
0x1de: {  	v47 =	vor.u32 v4, v14;
	[tilespmem:v60+s15+$0x0] =	vst.idx.msk $0xffff, v22;
	v46 =	vld.idx.msk [tilespmem:v59+s3+$0x0], $0xffff  }
0x1df: {  	v50 =	vor.u32 v4, v16;
	v48 =	vor.u32 v20, v12;
	v49 =	vld.idx.msk [tilespmem:v61+s3+$0x0], $0xffff;
	[tilespmem:v62+s15+$0x0] =	vst.idx.msk $0xffff, v34  }
0x1e0: {  	v51 =	vor.u32 v20, v15;
	v52 =	vor.u32 v4, v21;
	v31 =	vld.idx.msk [tilespmem:v63+s3+$0x0], $0xffff;
	[tilespmem:v42+s15+$0x0] =	vst.idx.msk $0xffff, v25  }
0x1e1: {  	[tilespmem:v13+s15+$0x0] =	vst.idx.msk $0xffff, v29;
	v53 =	vor.u32 v20, v26;
	v54 =	vor.u32 v4, v28;
	v23 =	vld.idx.msk [tilespmem:v44+s3+$0x0], $0xffff  }
0x1e2: {  	v56 =	vor.u32 v20, v43;
	[tilespmem:v18+s15+$0x0] =	vst.idx.msk $0xffff, v30;
	v58 =	vld.idx.msk [tilespmem:v45+s3+$0x0], $0xffff;
	v59 =	vor.u32 v5, v8  }
0x1e3: {  	v27 =	vld.idx.msk [tilespmem:v27+s3+$0x0], $0xffff;
	v60 =	vor.u32 v17, v9;
	v55 =	vor.u32 v5, v11;
	[tilespmem:v47+s15+$0x0] =	vst.idx.msk $0xffff, v46  }
0x1e4: {  	v57 =	vor.u32 v17, v10;
	v61 =	vor.u32 v5, v14;
	[tilespmem:v50+s15+$0x0] =	vst.idx.msk $0xffff, v49;
	v33 =	vld.idx.msk [tilespmem:v48+s3+$0x0], $0xffff  }
0x1e5: {  	v62 =	vor.u32 v17, v12;
	v63 =	vor.u32 v5, v16;
	v24 =	vld.idx.msk [tilespmem:v51+s3+$0x0], $0xffff;
	[tilespmem:v52+s15+$0x0] =	vst.idx.msk $0xffff, v31  }
0x1e6: {  	v38 =	vor.u32 v17, v15;
	v39 =	vor.u32 v5, v21;
	v13 =	vld.idx.msk [tilespmem:v53+s3+$0x0], $0xffff;
	[tilespmem:v54+s15+$0x0] =	vst.idx.msk $0xffff, v23  }
0x1e7: {  	v41 =	vor.u32 v5, v28;
	v40 =	vor.u32 v17, v26;
	[tilespmem:v59+s15+$0x0] =	vst.idx.msk $0xffff, v58;
	v18 =	vld.idx.msk [tilespmem:v56+s3+$0x0], $0xffff  }
0x1e8: {  	v46 =	vor.u32 v6, v8;
	[tilespmem:v55+s15+$0x0] =	vst.idx.msk $0xffff, v27;
	v22 =	vld.idx.msk [tilespmem:v60+s3+$0x0], $0xffff;
	v44 =	vor.u32 v17, v43  }
0x1e9: {  	v47 =	vor.u32 v19, v9;
	v42 =	vor.u32 v6, v11;
	v20 =	vld.idx.msk [tilespmem:v57+s3+$0x0], $0xffff;
	[tilespmem:v61+s15+$0x0] =	vst.idx.msk $0xffff, v33  }
0x1ea: {  	v45 =	vor.u32 v19, v10;
	v49 =	vor.u32 v6, v14;
	[tilespmem:v63+s15+$0x0] =	vst.idx.msk $0xffff, v24;
	v48 =	vld.idx.msk [tilespmem:v62+s3+$0x0], $0xffff  }
0x1eb: {  	v50 =	vor.u32 v19, v12;
	v51 =	vor.u32 v6, v16;
	v25 =	vld.idx.msk [tilespmem:v38+s3+$0x0], $0xffff;
	[tilespmem:v39+s15+$0x0] =	vst.idx.msk $0xffff, v13  }
0x1ec: {  	v52 =	vor.u32 v19, v15;
	v54 =	vor.u32 v6, v21;
	v53 =	vld.idx.msk [tilespmem:v40+s3+$0x0], $0xffff;
	[tilespmem:v41+s15+$0x0] =	vst.idx.msk $0xffff, v18  }
0x1ed: {  	v55 =	vor.u32 v19, v26;
	[tilespmem:v46+s15+$0x0] =	vst.idx.msk $0xffff, v22;
	v56 =	vor.u32 v6, v28;
	v17 =	vld.idx.msk [tilespmem:v44+s3+$0x0], $0xffff  }
0x1ee: {  	v58 =	vor.u32 v19, v43;
	v8 =	vor.u32 v7, v8;
	[tilespmem:v42+s15+$0x0] =	vst.idx.msk $0xffff, v20;
	v9 =	vld.idx.msk [tilespmem:v47+s3+$0x0], $0xffff  }
0x1ef: {  	v57 =	vor.u32 v7, v11;
	v10 =	vld.idx.msk [tilespmem:v45+s3+$0x0], $0xffff;
	[tilespmem:v49+s15+$0x0] =	vst.idx.msk $0xffff, v48  }
0x1f0: {  	v59 =	vor.u32 v7, v14;
	[tilespmem:v51+s15+$0x0] =	vst.idx.msk $0xffff, v25;
	v12 =	vld.idx.msk [tilespmem:v50+s3+$0x0], $0xffff  }
0x1f1: {  	v60 =	vor.u32 v7, v16;
	v13 =	vld.idx.msk [tilespmem:v52+s3+$0x0], $0xffff;
	[tilespmem:v54+s15+$0x0] =	vst.idx.msk $0xffff, v53  }
0x1f2: {  	v61 =	vor.u32 v7, v21;
	v15 =	vld.idx.msk [tilespmem:v55+s3+$0x0], $0xffff;
	[tilespmem:v56+s15+$0x0] =	vst.idx.msk $0xffff, v17  }
0x1f3: {  	s19 =	sadd.s32 $0x1, s19;
	v63 =	vor.u32 v7, v28;
	[tilespmem:v8+s15+$0x0] =	vst.idx.msk $0xffff, v9;
	v62 =	vld.idx.msk [tilespmem:v58+s3+$0x0], $0xffff  }
0x1f4: {  	p0 =	sne.s32 s19, $0x63;
	[tilespmem:v57+s15+$0x0] =	vst.idx.msk $0xffff, v10  }
.Ltmp4:
0x1f5: {  	s20 =	sshll.u32 s20, $0x11;
	[tilespmem:v59+s15+$0x0] =	vst.idx.msk $0xffff, v12;
	(pc) =	sbr.rel @p0 .LBB2_6-.Ltmp4, $4  }
0x1f6: {  	s20 =	sor.u32 s4, s20;
	[tilespmem:v60+s15+$0x0] =	vst.idx.msk $0xffff, v13  }
0x1f7: {  	s20 =	sshrl.u32 s20, $0x3;
	[tilespmem:v61+s15+$0x0] =	vst.idx.msk $0xffff, v15  }
0x1f8: {  	s20 =	sadd.s32 s2, s20;
	[tilespmem:v63+s15+$0x0] =	vst.idx.msk $0xffff, v62  }
0x1f9: {  	[hbm4b:s20+s11] =	stream.strided.scatter [tilespmem:s15], [sflag:$0x1], $0x1000, s12, s11, $0x38;
	[tilespmem:$0x9400] =	vst v63  }
0x1fa: {  	s17 =	sadd.s32 $0x1, s17  }
0x1fb: {  	_ =	swait.ge [sflag:s16], $0x1000;
	p0 =	sne.s32 s17, s9  }
.Ltmp5:
0x1fc: {  	[sflag:s16] =	ssyncset.done $0x0;
	(pc) =	sbr.rel @p0 .LBB2_1-.Ltmp5, $4  }
0x1fd: {  	[sflag:s16] =	ssyncadd.s32 $0xFFFFF000  }
0x1fe: {  	_ =	swait.ge [sflag:s16], $0x1000  }
0x1ff: {  	[sflag:s16] =	ssyncset.done $0x0  }
0x200: {  	[sflag:s16] =	ssyncadd.s32 $0xFFFFF000  }
0x201: {  	_ =	sfence.sel $0x180000  }
0x202: {  	[bflag:$0x0] =	sbarrier.arrive $0xFFFF  }
0x203: {  	p0 =	sne.s32 s1, $0x0;
	_ =	strace $0x90000047  }
0x204: {  	s0 =	sadd.s32 @!p0 $0x100000, s0;
	[bflag:$0x2] =	sbarrier.arrive $0xFFFF  }
0x205: {  	[sflag:s0] =	ssyncadd.tile.s32 @!p0 $0x1;
	_ =	shalt  }
.Lfunc_end2:
_tile_overlayer_lowered:
.L_overlay_start_2:
0x206: {  	(tag) =	ssettag $0x2  }
0x207: {  	s0 =	rddreg [dreg:$0x0];
	s2 =	stileid.u32  }
0x208: {  	s1 =	rddreg [dreg:$0x1];
	p0 =	sne.s32 s2, $0x0  }
0x209: {  	s3 =	rddreg [dreg:$0x2];
	[bflag:$0x3] =	sbarrier.arrive $0xFFFF;
	s2 =	simm.s32 @!p0 $0x1C02  }
0x20a: {  	[timem:s3], [sflag:s2] =	dma.local @!p0 [hbm:s0], s1  }
0x20b: {  	s0 =	simm.s32 @!p0 $0x2  }
0x20c: {  	_ =	swait.ge @!p0 [sflag:s0], s1  }
0x20d: {  	s1 =	ssub.s32 @!p0 $0x0, s1;
	[sflag:s0] =	ssyncset.done @!p0 $0x0  }
0x20e: {  	[sflag:s0] =	ssyncadd.s32 @!p0 s1  }
0x20f: {  	[bflag:$0x3] =	sbarrier.arrive $0xFFFF  }
0x210: {  	_ =	shalt  }

</sc_bundles>
